<compile_context>
chip_gen: v7x
topology: tpu7x:2x2x1
jax: 0.10.2.dev20260603
libtpu: 0.0.44.dev20260713+nightly
codegen_flags: <defaults>
</compile_context>

<pallas_src>
import functools

import jax
import jax.numpy as jnp
from jax import lax
from jax.experimental import pallas as pl
from jax.experimental.pallas import tpu as pltpu
from jax.experimental.pallas import tpu_sc as plsc

_CHUNK = 128
_NC = 2
_NS = 16
_L = 16


def _sc_segment_sum(x, src2d, dst2d, n_pad):
    d = x.shape[1]
    nchunks = src2d.shape[0]
    rpt = n_pad // _NS
    nworkers = _NC * _NS

    mesh = plsc.VectorSubcoreMesh(core_axis_name="c", subcore_axis_name="s")

    @functools.partial(
        pl.kernel,
        out_type=(
            jax.ShapeDtypeStruct((_NC, n_pad, d), jnp.float32),
            jax.ShapeDtypeStruct((_NC * n_pad,), jnp.float32),
        ),
        mesh=mesh,
        scratch_types=[
            pltpu.VMEM((_CHUNK,), jnp.int32),
            pltpu.VMEM((1, _CHUNK), jnp.int32),
            pltpu.VMEM((_CHUNK, d), jnp.float32),
            pltpu.VMEM((_CHUNK,), jnp.float32),
            pltpu.VMEM((-(-rpt // _L) * _L,), jnp.float32),
            pltpu.VMEM_SHARED((n_pad, d), jnp.float32),
            pltpu.VMEM_SHARED((n_pad,), jnp.float32),
            pltpu.SemaphoreType.DMA,
        ],
    )
    def sc_kernel(x_hbm, src_hbm, dst_hbm, s_out, c_out,
                  sidx, didx, rows, ones1, cbuf, s_sh, c_sh, sem):
        c = lax.axis_index("c")
        s = lax.axis_index("s")
        wid = s * _NC + c
        base = s * rpt

        zero16 = jnp.zeros((_L,), jnp.float32)
        one16 = jnp.ones((_L,), jnp.float32)

        def init_row(r, carry):
            for k in range(d // _L):
                rows[r, pl.ds(k * _L, _L)] = zero16
            return carry

        lax.fori_loop(0, _CHUNK, init_row, 0)
        for k in range(_CHUNK // _L):
            ones1[pl.ds(k * _L, _L)] = one16

        def init_cbuf(i, carry):
            cbuf[pl.ds(i * _L, _L)] = zero16
            return carry

        lax.fori_loop(0, -(-rpt // _L), init_cbuf, 0)

        sizes = [_CHUNK] * (rpt // _CHUNK)
        if rpt % _CHUNK:
            sizes.append(rpt % _CHUNK)
        off = 0
        for sz in sizes:
            pltpu.sync_copy(rows.at[pl.ds(0, sz)],
                            s_sh.at[pl.ds(base + off, sz)])
            off += sz
        pltpu.sync_copy(cbuf.at[pl.ds(0, rpt)], c_sh.at[pl.ds(base, rpt)])
        plsc.subcore_barrier()

        trip = (nchunks - wid + nworkers - 1) // nworkers

        def body(j, carry):
            cid = wid + j * nworkers
            pltpu.sync_copy(src_hbm.at[cid], sidx)
            pltpu.sync_copy(dst_hbm.at[cid], didx.at[0])
            pltpu.async_copy(x_hbm.at[sidx], rows, sem).wait()
            pltpu.sync_copy(rows, s_sh.at[didx.at[0]], add=True)
            pltpu.sync_copy(ones1, c_sh.at[didx.at[0]], add=True)
            return carry

        lax.fori_loop(0, trip, body, 0)
        plsc.subcore_barrier()

        off = 0
        for sz in sizes:
            r0 = base + off
            pltpu.sync_copy(s_sh.at[pl.ds(r0, sz)], rows.at[pl.ds(0, sz)])
            pltpu.sync_copy(rows.at[pl.ds(0, sz)], s_out.at[c, pl.ds(r0, sz)])
            off += sz
        pltpu.sync_copy(c_sh.at[pl.ds(base, rpt)], cbuf.at[pl.ds(0, rpt)])
        pltpu.sync_copy(cbuf.at[pl.ds(0, rpt)],
                        c_out.at[pl.ds(c * n_pad + base, rpt)])

    return sc_kernel(x, src2d, dst2d)


def _tc_combine_body(x_ref, s_ref, c_ref, w_ref, b_ref, o_ref):
    d = x_ref.shape[1]
    xb = x_ref[...]
    sb = s_ref[0] + s_ref[1]
    cnt = c_ref[0] + c_ref[1]
    w = w_ref[...]
    dn = (((1,), (1,)), ((), ()))
    t1 = lax.dot_general(xb, w[:, :d], dn,
                         preferred_element_type=jnp.float32,
                         precision=lax.Precision.HIGHEST)
    t2 = lax.dot_general(sb, w[:, d:], dn,
                         preferred_element_type=jnp.float32,
                         precision=lax.Precision.HIGHEST)
    inv = 1.0 / jnp.maximum(cnt, 1.0)
    o_ref[...] = jnp.where(cnt > 0.0, t1 + b_ref[...] + t2 * inv, 0.0)


def _tc_combine(x, s_parts, c_parts, W, b2d):
    n, d = x.shape
    blk = 1024
    grid = ((n + blk - 1) // blk,)
    return pl.pallas_call(
        _tc_combine_body,
        grid=grid,
        in_specs=[
            pl.BlockSpec((blk, d), lambda i: (i, 0)),
            pl.BlockSpec((_NC, blk, d), lambda i: (0, i, 0)),
            pl.BlockSpec((_NC, blk, 1), lambda i: (0, i, 0)),
            pl.BlockSpec((d, 2 * d), lambda i: (0, 0)),
            pl.BlockSpec((1, d), lambda i: (0, 0)),
        ],
        out_specs=pl.BlockSpec((blk, d), lambda i: (i, 0)),
        out_shape=jax.ShapeDtypeStruct((n, d), jnp.float32),
    )(x, s_parts, c_parts, W, b2d)


def kernel(x, edge_index, W, b):
    n, d = x.shape
    e = edge_index.shape[1]
    rpt = ((n + _NS - 1) // _NS + 7) // 8 * 8
    n_pad = rpt * _NS
    e_pad = (e + _CHUNK - 1) // _CHUNK * _CHUNK
    src = jnp.pad(edge_index[0].astype(jnp.int32), (0, e_pad - e))
    dst = jnp.pad(edge_index[1].astype(jnp.int32), (0, e_pad - e),
                  constant_values=n)
    src2d = src.reshape(e_pad // _CHUNK, _CHUNK)
    dst2d = dst.reshape(e_pad // _CHUNK, _CHUNK)
    s_parts, c_flat = _sc_segment_sum(x, src2d, dst2d, n_pad)
    c_parts = c_flat.reshape(_NC, n_pad, 1)
    return _tc_combine(x, s_parts, c_parts, W, b.reshape(1, d))

# --- scband reference (transcript-rebuilt; emitter-appended) ---
"""Pipeline reference for scband-block-generator-59090160058473 (READ-ONLY COPY).

The authoritative reference and input builder live on the scoring server;
editing this copy changes nothing except your own understanding.
"""

import jax, jax.numpy as jnp
import numpy as np

N_NODES = 10000
N_EDGES = 320000
D_FEAT = 128


def setup_inputs(seed: int = 0) -> dict:
    key = jax.random.key(seed)
    k1, k2, k3, k4 = jax.random.split(key, 4)
    x = jax.random.normal(k1, (N_NODES, D_FEAT), dtype=jnp.float32)
    edge_index = jax.random.randint(k2, (2, N_EDGES), 0, N_NODES)
    # Linear(in_channels*2 -> out_channels): W [out, 2*in], b [out]
    W = jax.random.normal(k3, (D_FEAT, 2 * D_FEAT), dtype=jnp.float32) * (1.0 / np.sqrt(2 * D_FEAT))
    b = jax.random.normal(k4, (D_FEAT,), dtype=jnp.float32) * 0.01
    return {"x": x, "edge_index": edge_index, "W": W, "b": b}


def reference(x, edge_index, W, b):
    # NaiveMsgPass (PyG MessagePassing, aggr='mean', flow source_to_target):
    #   message(x_i, x_j) = Linear(cat([x_i, x_j], dim=1))
    #   x_j = x[src] = x[edge_index[0]], x_i = x[dst] = x[edge_index[1]]
    src = edge_index[0]
    dst = edge_index[1]
    x_j = jnp.take(x, src, axis=0)
    x_i = jnp.take(x, dst, axis=0)
    tmp = jnp.concatenate([x_i, x_j], axis=1)
    msg = tmp @ W.T + b
    n = x.shape[0]
    summed = jax.ops.segment_sum(msg, dst, num_segments=n)
    count = jax.ops.segment_sum(jnp.ones((dst.shape[0],), dtype=x.dtype), dst, num_segments=n)
    out = summed / jnp.clip(count, 1.0, None)[:, None]
    return out

if __name__ == "__main__":
    import jax
    _d = setup_inputs()
    print(jax.jit(kernel)(*tuple(_d.values())))

</pallas_src>

<mosaic_0001>
#map = affine_map<(d0, d1) -> (0, 0)>
#map1 = affine_map<(d0, d1) -> (0, 0, 0)>
#map2 = affine_map<(d0, d1) -> (0)>
module attributes {stable_mosaic.version = 14 : i64} {
  func.func @sc_kernel(%arg0: i32, %arg1: i32, %arg2: memref<10000x128xf32, #tpu.memory_space<hbm>>, %arg3: memref<2500x128xi32, #tpu.memory_space<hbm>>, %arg4: memref<2500x128xi32, #tpu.memory_space<hbm>>, %arg5: memref<2x10112x128xf32, #tpu.memory_space<hbm>>, %arg6: memref<20224xf32, #tpu.memory_space<hbm>>, %arg7: memref<128xi32, #tpu.memory_space<vmem>>, %arg8: memref<1x128xi32, #tpu.memory_space<vmem>>, %arg9: memref<128x128xf32, #tpu.memory_space<vmem>>, %arg10: memref<128xf32, #tpu.memory_space<vmem>>, %arg11: memref<640xf32, #tpu.memory_space<vmem>>, %arg12: memref<10112x128xf32, #tpu.memory_space<vmem_shared>>, %arg13: memref<10112xf32, #tpu.memory_space<vmem_shared>>, %arg14: memref<!tpu.dma_semaphore, #tpu.memory_space<semaphore_mem>>) attributes {dimension_semantics = [#tpu.dimension_semantics<core_parallel>, #tpu.dimension_semantics<subcore_parallel>], iteration_bounds = array<i64: 2, 16>, scalar_prefetch = 0 : i64, scratch_operands = 8 : i64, tpu.core_type = #tpu.core_type<sc_vector_subcore>, window_params = [{transform_indices = #map}, {transform_indices = #map}, {transform_indices = #map}, {transform_indices = #map1}, {transform_indices = #map2}]} {
    %mul3A = arith.constant 2 : i32
    %mul3A_0 = arith.muli %arg1, %mul3A : i32
    %add3A = arith.addi %mul3A_0, %arg0 : i32
    %mul3A_1 = arith.constant 632 : i32
    %mul3A_2 = arith.muli %arg1, %mul3A_1 : i32
    %broadcast_in_dim3A = arith.constant 0.000000e+00 : f32
    %broadcast_in_dim3A_3 = vector.broadcast %broadcast_in_dim3A : f32 to vector<16xf32>
    %broadcast_in_dim3A_4 = arith.constant 1.000000e+00 : f32
    %broadcast_in_dim3A_5 = vector.broadcast %broadcast_in_dim3A_4 : f32 to vector<16xf32>
    %scan3A = arith.constant 0 : i32
    %scan3A_6 = arith.constant 0 : i32
    %scan3A_7 = arith.constant 128 : i32
    %scan3A_8 = arith.addi %scan3A_6, %scan3A_7 : i32
    %scan3A_9 = arith.constant 1 : i32
    scf.for %scan3A_103 = %scan3A_6 to %scan3A_8 step %scan3A_9  : i32 {
      %swap3A_104 = arith.index_cast %scan3A_103 : i32 to index
      %swap3A_105 = arith.constant 0 : index
      %swap3A_106 = tpu.vector_load %arg9[%swap3A_104, %swap3A_105] {strides = array<i32>} : memref<128x128xf32, #tpu.memory_space<vmem>>, vector<1x16xf32>,
      %swap3A_107 = vector.shape_cast %swap3A_106 : vector<1x16xf32> to vector<16xf32>
      %swap3A_108 = vector.shape_cast %broadcast_in_dim3A_3 : vector<16xf32> to vector<1x16xf32>
      tpu.vector_store %arg9[%swap3A_104, %swap3A_105], %swap3A_108 {strides = array<i32>} : memref<128x128xf32, #tpu.memory_space<vmem>>, vector<1x16xf32>,
      %swap3A_109 = arith.index_cast %scan3A_103 : i32 to index
      %swap3A_110 = arith.constant 16 : index
      %swap3A_111 = tpu.vector_load %arg9[%swap3A_109, %swap3A_110] {strides = array<i32>} : memref<128x128xf32, #tpu.memory_space<vmem>>, vector<1x16xf32>,
      %swap3A_112 = vector.shape_cast %swap3A_111 : vector<1x16xf32> to vector<16xf32>
      %swap3A_113 = vector.shape_cast %broadcast_in_dim3A_3 : vector<16xf32> to vector<1x16xf32>
      tpu.vector_store %arg9[%swap3A_109, %swap3A_110], %swap3A_113 {strides = array<i32>} : memref<128x128xf32, #tpu.memory_space<vmem>>, vector<1x16xf32>,
      %swap3A_114 = arith.index_cast %scan3A_103 : i32 to index
      %swap3A_115 = arith.constant 32 : index
      %swap3A_116 = tpu.vector_load %arg9[%swap3A_114, %swap3A_115] {strides = array<i32>} : memref<128x128xf32, #tpu.memory_space<vmem>>, vector<1x16xf32>,
      %swap3A_117 = vector.shape_cast %swap3A_116 : vector<1x16xf32> to vector<16xf32>
      %swap3A_118 = vector.shape_cast %broadcast_in_dim3A_3 : vector<16xf32> to vector<1x16xf32>
      tpu.vector_store %arg9[%swap3A_114, %swap3A_115], %swap3A_118 {strides = array<i32>} : memref<128x128xf32, #tpu.memory_space<vmem>>, vector<1x16xf32>,
      %swap3A_119 = arith.index_cast %scan3A_103 : i32 to index
      %swap3A_120 = arith.constant 48 : index
      %swap3A_121 = tpu.vector_load %arg9[%swap3A_119, %swap3A_120] {strides = array<i32>} : memref<128x128xf32, #tpu.memory_space<vmem>>, vector<1x16xf32>,
      %swap3A_122 = vector.shape_cast %swap3A_121 : vector<1x16xf32> to vector<16xf32>
      %swap3A_123 = vector.shape_cast %broadcast_in_dim3A_3 : vector<16xf32> to vector<1x16xf32>
      tpu.vector_store %arg9[%swap3A_119, %swap3A_120], %swap3A_123 {strides = array<i32>} : memref<128x128xf32, #tpu.memory_space<vmem>>, vector<1x16xf32>,
      %swap3A_124 = arith.index_cast %scan3A_103 : i32 to index
      %swap3A_125 = arith.constant 64 : index
      %swap3A_126 = tpu.vector_load %arg9[%swap3A_124, %swap3A_125] {strides = array<i32>} : memref<128x128xf32, #tpu.memory_space<vmem>>, vector<1x16xf32>,
      %swap3A_127 = vector.shape_cast %swap3A_126 : vector<1x16xf32> to vector<16xf32>
      %swap3A_128 = vector.shape_cast %broadcast_in_dim3A_3 : vector<16xf32> to vector<1x16xf32>
      tpu.vector_store %arg9[%swap3A_124, %swap3A_125], %swap3A_128 {strides = array<i32>} : memref<128x128xf32, #tpu.memory_space<vmem>>, vector<1x16xf32>,
      %swap3A_129 = arith.index_cast %scan3A_103 : i32 to index
      %swap3A_130 = arith.constant 80 : index
      %swap3A_131 = tpu.vector_load %arg9[%swap3A_129, %swap3A_130] {strides = array<i32>} : memref<128x128xf32, #tpu.memory_space<vmem>>, vector<1x16xf32>,
      %swap3A_132 = vector.shape_cast %swap3A_131 : vector<1x16xf32> to vector<16xf32>
      %swap3A_133 = vector.shape_cast %broadcast_in_dim3A_3 : vector<16xf32> to vector<1x16xf32>
      tpu.vector_store %arg9[%swap3A_129, %swap3A_130], %swap3A_133 {strides = array<i32>} : memref<128x128xf32, #tpu.memory_space<vmem>>, vector<1x16xf32>,
      %swap3A_134 = arith.index_cast %scan3A_103 : i32 to index
      %swap3A_135 = arith.constant 96 : index
      %swap3A_136 = tpu.vector_load %arg9[%swap3A_134, %swap3A_135] {strides = array<i32>} : memref<128x128xf32, #tpu.memory_space<vmem>>, vector<1x16xf32>,
      %swap3A_137 = vector.shape_cast %swap3A_136 : vector<1x16xf32> to vector<16xf32>
      %swap3A_138 = vector.shape_cast %broadcast_in_dim3A_3 : vector<16xf32> to vector<1x16xf32>
      tpu.vector_store %arg9[%swap3A_134, %swap3A_135], %swap3A_138 {strides = array<i32>} : memref<128x128xf32, #tpu.memory_space<vmem>>, vector<1x16xf32>,
      %swap3A_139 = arith.index_cast %scan3A_103 : i32 to index
      %swap3A_140 = arith.constant 112 : index
      %swap3A_141 = tpu.vector_load %arg9[%swap3A_139, %swap3A_140] {strides = array<i32>} : memref<128x128xf32, #tpu.memory_space<vmem>>, vector<1x16xf32>,
      %swap3A_142 = vector.shape_cast %swap3A_141 : vector<1x16xf32> to vector<16xf32>
      %swap3A_143 = vector.shape_cast %broadcast_in_dim3A_3 : vector<16xf32> to vector<1x16xf32>
      tpu.vector_store %arg9[%swap3A_139, %swap3A_140], %swap3A_143 {strides = array<i32>} : memref<128x128xf32, #tpu.memory_space<vmem>>, vector<1x16xf32>,
    }
    %scan3A_10 = arith.constant 128 : i32
    %swap3A = arith.constant 0 : index
    %swap3A_11 = tpu.vector_load %arg10[%swap3A] {strides = array<i32>} : memref<128xf32, #tpu.memory_space<vmem>>, vector<16xf32>,
    %swap3A_12 = vector.shape_cast %swap3A_11 : vector<16xf32> to vector<16xf32>
    %swap3A_13 = vector.shape_cast %broadcast_in_dim3A_5 : vector<16xf32> to vector<16xf32>
    tpu.vector_store %arg10[%swap3A], %swap3A_13 {strides = array<i32>} : memref<128xf32, #tpu.memory_space<vmem>>, vector<16xf32>,
    %swap3A_14 = arith.constant 16 : index
    %swap3A_15 = tpu.vector_load %arg10[%swap3A_14] {strides = array<i32>} : memref<128xf32, #tpu.memory_space<vmem>>, vector<16xf32>,
    %swap3A_16 = vector.shape_cast %swap3A_15 : vector<16xf32> to vector<16xf32>
    %swap3A_17 = vector.shape_cast %broadcast_in_dim3A_5 : vector<16xf32> to vector<16xf32>
    tpu.vector_store %arg10[%swap3A_14], %swap3A_17 {strides = array<i32>} : memref<128xf32, #tpu.memory_space<vmem>>, vector<16xf32>,
    %swap3A_18 = arith.constant 32 : index
    %swap3A_19 = tpu.vector_load %arg10[%swap3A_18] {strides = array<i32>} : memref<128xf32, #tpu.memory_space<vmem>>, vector<16xf32>,
    %swap3A_20 = vector.shape_cast %swap3A_19 : vector<16xf32> to vector<16xf32>
    %swap3A_21 = vector.shape_cast %broadcast_in_dim3A_5 : vector<16xf32> to vector<16xf32>
    tpu.vector_store %arg10[%swap3A_18], %swap3A_21 {strides = array<i32>} : memref<128xf32, #tpu.memory_space<vmem>>, vector<16xf32>,
    %swap3A_22 = arith.constant 48 : index
    %swap3A_23 = tpu.vector_load %arg10[%swap3A_22] {strides = array<i32>} : memref<128xf32, #tpu.memory_space<vmem>>, vector<16xf32>,
    %swap3A_24 = vector.shape_cast %swap3A_23 : vector<16xf32> to vector<16xf32>
    %swap3A_25 = vector.shape_cast %broadcast_in_dim3A_5 : vector<16xf32> to vector<16xf32>
    tpu.vector_store %arg10[%swap3A_22], %swap3A_25 {strides = array<i32>} : memref<128xf32, #tpu.memory_space<vmem>>, vector<16xf32>,
    %swap3A_26 = arith.constant 64 : index
    %swap3A_27 = tpu.vector_load %arg10[%swap3A_26] {strides = array<i32>} : memref<128xf32, #tpu.memory_space<vmem>>, vector<16xf32>,
    %swap3A_28 = vector.shape_cast %swap3A_27 : vector<16xf32> to vector<16xf32>
    %swap3A_29 = vector.shape_cast %broadcast_in_dim3A_5 : vector<16xf32> to vector<16xf32>
    tpu.vector_store %arg10[%swap3A_26], %swap3A_29 {strides = array<i32>} : memref<128xf32, #tpu.memory_space<vmem>>, vector<16xf32>,
    %swap3A_30 = arith.constant 80 : index
    %swap3A_31 = tpu.vector_load %arg10[%swap3A_30] {strides = array<i32>} : memref<128xf32, #tpu.memory_space<vmem>>, vector<16xf32>,
    %swap3A_32 = vector.shape_cast %swap3A_31 : vector<16xf32> to vector<16xf32>
    %swap3A_33 = vector.shape_cast %broadcast_in_dim3A_5 : vector<16xf32> to vector<16xf32>
    tpu.vector_store %arg10[%swap3A_30], %swap3A_33 {strides = array<i32>} : memref<128xf32, #tpu.memory_space<vmem>>, vector<16xf32>,
    %swap3A_34 = arith.constant 96 : index
    %swap3A_35 = tpu.vector_load %arg10[%swap3A_34] {strides = array<i32>} : memref<128xf32, #tpu.memory_space<vmem>>, vector<16xf32>,
    %swap3A_36 = vector.shape_cast %swap3A_35 : vector<16xf32> to vector<16xf32>
    %swap3A_37 = vector.shape_cast %broadcast_in_dim3A_5 : vector<16xf32> to vector<16xf32>
    tpu.vector_store %arg10[%swap3A_34], %swap3A_37 {strides = array<i32>} : memref<128xf32, #tpu.memory_space<vmem>>, vector<16xf32>,
    %swap3A_38 = arith.constant 112 : index
    %swap3A_39 = tpu.vector_load %arg10[%swap3A_38] {strides = array<i32>} : memref<128xf32, #tpu.memory_space<vmem>>, vector<16xf32>,
    %swap3A_40 = vector.shape_cast %swap3A_39 : vector<16xf32> to vector<16xf32>
    %swap3A_41 = vector.shape_cast %broadcast_in_dim3A_5 : vector<16xf32> to vector<16xf32>
    tpu.vector_store %arg10[%swap3A_38], %swap3A_41 {strides = array<i32>} : memref<128xf32, #tpu.memory_space<vmem>>, vector<16xf32>,
    %scan3A_42 = arith.constant 0 : i32
    %scan3A_43 = arith.constant 0 : i32
    %scan3A_44 = arith.constant 40 : i32
    %scan3A_45 = arith.addi %scan3A_43, %scan3A_44 : i32
    %scan3A_46 = arith.constant 1 : i32
    scf.for %scan3A_103 = %scan3A_43 to %scan3A_45 step %scan3A_46  : i32 {
      %mul3A_104 = arith.constant 16 : i32
      %mul3A_105 = arith.muli %scan3A_103, %mul3A_104 : i32
      %swap3A_106 = arith.index_cast %mul3A_105 : i32 to index
      %swap3A_107 = tpu.vector_load %arg11[%swap3A_106] {strides = array<i32>} : memref<640xf32, #tpu.memory_space<vmem>>, vector<16xf32>,
      %swap3A_108 = vector.shape_cast %swap3A_107 : vector<16xf32> to vector<16xf32>
      %swap3A_109 = vector.shape_cast %broadcast_in_dim3A_3 : vector<16xf32> to vector<16xf32>
      tpu.vector_store %arg11[%swap3A_106], %swap3A_109 {strides = array<i32>} : memref<640xf32, #tpu.memory_space<vmem>>, vector<16xf32>,
    }
    %scan3A_47 = arith.constant 40 : i32
    %add3A_48 = arith.constant 0 : i32
    %add3A_49 = arith.addi %mul3A_2, %add3A_48 : i32
    "tpu.region"() ({
      %run_scoped3A = tpu.sem_alloc : memref<!tpu.dma_semaphore, #tpu.memory_space<semaphore_mem>>
      %dma_start3A = arith.constant 0 : i32
      %dma_start3A_103 = arith.constant 0 : i32
      %dma_start3A_104 = tpu.memref_slice %arg9[%dma_start3A, %dma_start3A_103] : memref<128x128xf32, #tpu.memory_space<vmem>> -> memref<128x128xf32, #tpu.memory_space<vmem>>
      %dma_start3A_105 = arith.constant 0 : i32
      %dma_start3A_106 = tpu.memref_slice %arg12[%add3A_49, %dma_start3A_105] : memref<10112x128xf32, #tpu.memory_space<vmem_shared>> -> memref<128x128xf32, #tpu.memory_space<vmem_shared>>
      %dma_start3A_107 = arith.constant 0 : i32
      %dma_start3A_108 = tpu.memref_slice %arg12[%add3A_49, %dma_start3A_107] : memref<10112x128xf32, #tpu.memory_space<vmem_shared>> -> memref<128x128xf32, #tpu.memory_space<vmem_shared>>
      %dma_start3A_109 = arith.constant 0 : i32
      %dma_start3A_110 = arith.constant 0 : i32
      %dma_start3A_111 = tpu.memref_slice %arg9[%dma_start3A_109, %dma_start3A_110] : memref<128x128xf32, #tpu.memory_space<vmem>> -> memref<128x128xf32, #tpu.memory_space<vmem>>
      tpu.enqueue_dma source(%dma_start3A_111 : memref<128x128xf32, #tpu.memory_space<vmem>>) target(%dma_start3A_108 : memref<128x128xf32, #tpu.memory_space<vmem_shared>>) target_semaphore(%run_scoped3A : memref<!tpu.dma_semaphore, #tpu.memory_space<semaphore_mem>>)
      %dma_wait3A = arith.constant 0 : i32
      %dma_wait3A_112 = arith.constant 0 : i32
      %dma_wait3A_113 = tpu.memref_slice %arg9[%dma_wait3A, %dma_wait3A_112] : memref<128x128xf32, #tpu.memory_space<vmem>> -> memref<128x128xf32, #tpu.memory_space<vmem>>
      %dma_wait3A_114 = arith.constant 0 : i32
      %dma_wait3A_115 = tpu.memref_slice %arg12[%add3A_49, %dma_wait3A_114] : memref<10112x128xf32, #tpu.memory_space<vmem_shared>> -> memref<128x128xf32, #tpu.memory_space<vmem_shared>>
      %dma_wait3A_116 = arith.constant 0 : i32
      %dma_wait3A_117 = tpu.memref_slice %arg12[%add3A_49, %dma_wait3A_116] : memref<10112x128xf32, #tpu.memory_space<vmem_shared>> -> memref<128x128xf32, #tpu.memory_space<vmem_shared>>
      %dma_wait3A_118 = arith.constant 0 : i32
      %dma_wait3A_119 = arith.constant 0 : i32
      %dma_wait3A_120 = tpu.memref_slice %arg9[%dma_wait3A_118, %dma_wait3A_119] : memref<128x128xf32, #tpu.memory_space<vmem>> -> memref<128x128xf32, #tpu.memory_space<vmem>>
      tpu.wait_dma2 semaphore(%run_scoped3A : memref<!tpu.dma_semaphore, #tpu.memory_space<semaphore_mem>>) src(%dma_wait3A_120 : memref<128x128xf32, #tpu.memory_space<vmem>>) dst(%dma_wait3A_117 : memref<128x128xf32, #tpu.memory_space<vmem_shared>>)
      tpu.yield
    }) : () -> ()
    %add3A_50 = arith.constant 128 : i32
    %add3A_51 = arith.addi %mul3A_2, %add3A_50 : i32
    "tpu.region"() ({
      %run_scoped3A = tpu.sem_alloc : memref<!tpu.dma_semaphore, #tpu.memory_space<semaphore_mem>>
      %dma_start3A = arith.constant 0 : i32
      %dma_start3A_103 = arith.constant 0 : i32
      %dma_start3A_104 = tpu.memref_slice %arg9[%dma_start3A, %dma_start3A_103] : memref<128x128xf32, #tpu.memory_space<vmem>> -> memref<128x128xf32, #tpu.memory_space<vmem>>
      %dma_start3A_105 = arith.constant 0 : i32
      %dma_start3A_106 = tpu.memref_slice %arg12[%add3A_51, %dma_start3A_105] : memref<10112x128xf32, #tpu.memory_space<vmem_shared>> -> memref<128x128xf32, #tpu.memory_space<vmem_shared>>
      %dma_start3A_107 = arith.constant 0 : i32
      %dma_start3A_108 = tpu.memref_slice %arg12[%add3A_51, %dma_start3A_107] : memref<10112x128xf32, #tpu.memory_space<vmem_shared>> -> memref<128x128xf32, #tpu.memory_space<vmem_shared>>
      %dma_start3A_109 = arith.constant 0 : i32
      %dma_start3A_110 = arith.constant 0 : i32
      %dma_start3A_111 = tpu.memref_slice %arg9[%dma_start3A_109, %dma_start3A_110] : memref<128x128xf32, #tpu.memory_space<vmem>> -> memref<128x128xf32, #tpu.memory_space<vmem>>
      tpu.enqueue_dma source(%dma_start3A_111 : memref<128x128xf32, #tpu.memory_space<vmem>>) target(%dma_start3A_108 : memref<128x128xf32, #tpu.memory_space<vmem_shared>>) target_semaphore(%run_scoped3A : memref<!tpu.dma_semaphore, #tpu.memory_space<semaphore_mem>>)
      %dma_wait3A = arith.constant 0 : i32
      %dma_wait3A_112 = arith.constant 0 : i32
      %dma_wait3A_113 = tpu.memref_slice %arg9[%dma_wait3A, %dma_wait3A_112] : memref<128x128xf32, #tpu.memory_space<vmem>> -> memref<128x128xf32, #tpu.memory_space<vmem>>
      %dma_wait3A_114 = arith.constant 0 : i32
      %dma_wait3A_115 = tpu.memref_slice %arg12[%add3A_51, %dma_wait3A_114] : memref<10112x128xf32, #tpu.memory_space<vmem_shared>> -> memref<128x128xf32, #tpu.memory_space<vmem_shared>>
      %dma_wait3A_116 = arith.constant 0 : i32
      %dma_wait3A_117 = tpu.memref_slice %arg12[%add3A_51, %dma_wait3A_116] : memref<10112x128xf32, #tpu.memory_space<vmem_shared>> -> memref<128x128xf32, #tpu.memory_space<vmem_shared>>
      %dma_wait3A_118 = arith.constant 0 : i32
      %dma_wait3A_119 = arith.constant 0 : i32
      %dma_wait3A_120 = tpu.memref_slice %arg9[%dma_wait3A_118, %dma_wait3A_119] : memref<128x128xf32, #tpu.memory_space<vmem>> -> memref<128x128xf32, #tpu.memory_space<vmem>>
      tpu.wait_dma2 semaphore(%run_scoped3A : memref<!tpu.dma_semaphore, #tpu.memory_space<semaphore_mem>>) src(%dma_wait3A_120 : memref<128x128xf32, #tpu.memory_space<vmem>>) dst(%dma_wait3A_117 : memref<128x128xf32, #tpu.memory_space<vmem_shared>>)
      tpu.yield
    }) : () -> ()
    %add3A_52 = arith.constant 256 : i32
    %add3A_53 = arith.addi %mul3A_2, %add3A_52 : i32
    "tpu.region"() ({
      %run_scoped3A = tpu.sem_alloc : memref<!tpu.dma_semaphore, #tpu.memory_space<semaphore_mem>>
      %dma_start3A = arith.constant 0 : i32
      %dma_start3A_103 = arith.constant 0 : i32
      %dma_start3A_104 = tpu.memref_slice %arg9[%dma_start3A, %dma_start3A_103] : memref<128x128xf32, #tpu.memory_space<vmem>> -> memref<128x128xf32, #tpu.memory_space<vmem>>
      %dma_start3A_105 = arith.constant 0 : i32
      %dma_start3A_106 = tpu.memref_slice %arg12[%add3A_53, %dma_start3A_105] : memref<10112x128xf32, #tpu.memory_space<vmem_shared>> -> memref<128x128xf32, #tpu.memory_space<vmem_shared>>
      %dma_start3A_107 = arith.constant 0 : i32
      %dma_start3A_108 = tpu.memref_slice %arg12[%add3A_53, %dma_start3A_107] : memref<10112x128xf32, #tpu.memory_space<vmem_shared>> -> memref<128x128xf32, #tpu.memory_space<vmem_shared>>
      %dma_start3A_109 = arith.constant 0 : i32
      %dma_start3A_110 = arith.constant 0 : i32
      %dma_start3A_111 = tpu.memref_slice %arg9[%dma_start3A_109, %dma_start3A_110] : memref<128x128xf32, #tpu.memory_space<vmem>> -> memref<128x128xf32, #tpu.memory_space<vmem>>
      tpu.enqueue_dma source(%dma_start3A_111 : memref<128x128xf32, #tpu.memory_space<vmem>>) target(%dma_start3A_108 : memref<128x128xf32, #tpu.memory_space<vmem_shared>>) target_semaphore(%run_scoped3A : memref<!tpu.dma_semaphore, #tpu.memory_space<semaphore_mem>>)
      %dma_wait3A = arith.constant 0 : i32
      %dma_wait3A_112 = arith.constant 0 : i32
      %dma_wait3A_113 = tpu.memref_slice %arg9[%dma_wait3A, %dma_wait3A_112] : memref<128x128xf32, #tpu.memory_space<vmem>> -> memref<128x128xf32, #tpu.memory_space<vmem>>
      %dma_wait3A_114 = arith.constant 0 : i32
      %dma_wait3A_115 = tpu.memref_slice %arg12[%add3A_53, %dma_wait3A_114] : memref<10112x128xf32, #tpu.memory_space<vmem_shared>> -> memref<128x128xf32, #tpu.memory_space<vmem_shared>>
      %dma_wait3A_116 = arith.constant 0 : i32
      %dma_wait3A_117 = tpu.memref_slice %arg12[%add3A_53, %dma_wait3A_116] : memref<10112x128xf32, #tpu.memory_space<vmem_shared>> -> memref<128x128xf32, #tpu.memory_space<vmem_shared>>
      %dma_wait3A_118 = arith.constant 0 : i32
      %dma_wait3A_119 = arith.constant 0 : i32
      %dma_wait3A_120 = tpu.memref_slice %arg9[%dma_wait3A_118, %dma_wait3A_119] : memref<128x128xf32, #tpu.memory_space<vmem>> -> memref<128x128xf32, #tpu.memory_space<vmem>>
      tpu.wait_dma2 semaphore(%run_scoped3A : memref<!tpu.dma_semaphore, #tpu.memory_space<semaphore_mem>>) src(%dma_wait3A_120 : memref<128x128xf32, #tpu.memory_space<vmem>>) dst(%dma_wait3A_117 : memref<128x128xf32, #tpu.memory_space<vmem_shared>>)
      tpu.yield
    }) : () -> ()
    %add3A_54 = arith.constant 384 : i32
    %add3A_55 = arith.addi %mul3A_2, %add3A_54 : i32
    "tpu.region"() ({
      %run_scoped3A = tpu.sem_alloc : memref<!tpu.dma_semaphore, #tpu.memory_space<semaphore_mem>>
      %dma_start3A = arith.constant 0 : i32
      %dma_start3A_103 = arith.constant 0 : i32
      %dma_start3A_104 = tpu.memref_slice %arg9[%dma_start3A, %dma_start3A_103] : memref<128x128xf32, #tpu.memory_space<vmem>> -> memref<128x128xf32, #tpu.memory_space<vmem>>
      %dma_start3A_105 = arith.constant 0 : i32
      %dma_start3A_106 = tpu.memref_slice %arg12[%add3A_55, %dma_start3A_105] : memref<10112x128xf32, #tpu.memory_space<vmem_shared>> -> memref<128x128xf32, #tpu.memory_space<vmem_shared>>
      %dma_start3A_107 = arith.constant 0 : i32
      %dma_start3A_108 = tpu.memref_slice %arg12[%add3A_55, %dma_start3A_107] : memref<10112x128xf32, #tpu.memory_space<vmem_shared>> -> memref<128x128xf32, #tpu.memory_space<vmem_shared>>
      %dma_start3A_109 = arith.constant 0 : i32
      %dma_start3A_110 = arith.constant 0 : i32
      %dma_start3A_111 = tpu.memref_slice %arg9[%dma_start3A_109, %dma_start3A_110] : memref<128x128xf32, #tpu.memory_space<vmem>> -> memref<128x128xf32, #tpu.memory_space<vmem>>
      tpu.enqueue_dma source(%dma_start3A_111 : memref<128x128xf32, #tpu.memory_space<vmem>>) target(%dma_start3A_108 : memref<128x128xf32, #tpu.memory_space<vmem_shared>>) target_semaphore(%run_scoped3A : memref<!tpu.dma_semaphore, #tpu.memory_space<semaphore_mem>>)
      %dma_wait3A = arith.constant 0 : i32
      %dma_wait3A_112 = arith.constant 0 : i32
      %dma_wait3A_113 = tpu.memref_slice %arg9[%dma_wait3A, %dma_wait3A_112] : memref<128x128xf32, #tpu.memory_space<vmem>> -> memref<128x128xf32, #tpu.memory_space<vmem>>
      %dma_wait3A_114 = arith.constant 0 : i32
      %dma_wait3A_115 = tpu.memref_slice %arg12[%add3A_55, %dma_wait3A_114] : memref<10112x128xf32, #tpu.memory_space<vmem_shared>> -> memref<128x128xf32, #tpu.memory_space<vmem_shared>>
      %dma_wait3A_116 = arith.constant 0 : i32
      %dma_wait3A_117 = tpu.memref_slice %arg12[%add3A_55, %dma_wait3A_116] : memref<10112x128xf32, #tpu.memory_space<vmem_shared>> -> memref<128x128xf32, #tpu.memory_space<vmem_shared>>
      %dma_wait3A_118 = arith.constant 0 : i32
      %dma_wait3A_119 = arith.constant 0 : i32
      %dma_wait3A_120 = tpu.memref_slice %arg9[%dma_wait3A_118, %dma_wait3A_119] : memref<128x128xf32, #tpu.memory_space<vmem>> -> memref<128x128xf32, #tpu.memory_space<vmem>>
      tpu.wait_dma2 semaphore(%run_scoped3A : memref<!tpu.dma_semaphore, #tpu.memory_space<semaphore_mem>>) src(%dma_wait3A_120 : memref<128x128xf32, #tpu.memory_space<vmem>>) dst(%dma_wait3A_117 : memref<128x128xf32, #tpu.memory_space<vmem_shared>>)
      tpu.yield
    }) : () -> ()
    %add3A_56 = arith.constant 512 : i32
    %add3A_57 = arith.addi %mul3A_2, %add3A_56 : i32
    "tpu.region"() ({
      %run_scoped3A = tpu.sem_alloc : memref<!tpu.dma_semaphore, #tpu.memory_space<semaphore_mem>>
      %dma_start3A = arith.constant 0 : i32
      %dma_start3A_103 = arith.constant 0 : i32
      %dma_start3A_104 = tpu.memref_slice %arg9[%dma_start3A, %dma_start3A_103] : memref<128x128xf32, #tpu.memory_space<vmem>> -> memref<120x128xf32, #tpu.memory_space<vmem>>
      %dma_start3A_105 = arith.constant 0 : i32
      %dma_start3A_106 = tpu.memref_slice %arg12[%add3A_57, %dma_start3A_105] : memref<10112x128xf32, #tpu.memory_space<vmem_shared>> -> memref<120x128xf32, #tpu.memory_space<vmem_shared>>
      %dma_start3A_107 = arith.constant 0 : i32
      %dma_start3A_108 = tpu.memref_slice %arg12[%add3A_57, %dma_start3A_107] : memref<10112x128xf32, #tpu.memory_space<vmem_shared>> -> memref<120x128xf32, #tpu.memory_space<vmem_shared>>
      %dma_start3A_109 = arith.constant 0 : i32
      %dma_start3A_110 = arith.constant 0 : i32
      %dma_start3A_111 = tpu.memref_slice %arg9[%dma_start3A_109, %dma_start3A_110] : memref<128x128xf32, #tpu.memory_space<vmem>> -> memref<120x128xf32, #tpu.memory_space<vmem>>
      tpu.enqueue_dma source(%dma_start3A_111 : memref<120x128xf32, #tpu.memory_space<vmem>>) target(%dma_start3A_108 : memref<120x128xf32, #tpu.memory_space<vmem_shared>>) target_semaphore(%run_scoped3A : memref<!tpu.dma_semaphore, #tpu.memory_space<semaphore_mem>>)
      %dma_wait3A = arith.constant 0 : i32
      %dma_wait3A_112 = arith.constant 0 : i32
      %dma_wait3A_113 = tpu.memref_slice %arg9[%dma_wait3A, %dma_wait3A_112] : memref<128x128xf32, #tpu.memory_space<vmem>> -> memref<120x128xf32, #tpu.memory_space<vmem>>
      %dma_wait3A_114 = arith.constant 0 : i32
      %dma_wait3A_115 = tpu.memref_slice %arg12[%add3A_57, %dma_wait3A_114] : memref<10112x128xf32, #tpu.memory_space<vmem_shared>> -> memref<120x128xf32, #tpu.memory_space<vmem_shared>>
      %dma_wait3A_116 = arith.constant 0 : i32
      %dma_wait3A_117 = tpu.memref_slice %arg12[%add3A_57, %dma_wait3A_116] : memref<10112x128xf32, #tpu.memory_space<vmem_shared>> -> memref<120x128xf32, #tpu.memory_space<vmem_shared>>
      %dma_wait3A_118 = arith.constant 0 : i32
      %dma_wait3A_119 = arith.constant 0 : i32
      %dma_wait3A_120 = tpu.memref_slice %arg9[%dma_wait3A_118, %dma_wait3A_119] : memref<128x128xf32, #tpu.memory_space<vmem>> -> memref<120x128xf32, #tpu.memory_space<vmem>>
      tpu.wait_dma2 semaphore(%run_scoped3A : memref<!tpu.dma_semaphore, #tpu.memory_space<semaphore_mem>>) src(%dma_wait3A_120 : memref<120x128xf32, #tpu.memory_space<vmem>>) dst(%dma_wait3A_117 : memref<120x128xf32, #tpu.memory_space<vmem_shared>>)
      tpu.yield
    }) : () -> ()
    "tpu.region"() ({
      %run_scoped3A = tpu.sem_alloc : memref<!tpu.dma_semaphore, #tpu.memory_space<semaphore_mem>>
      %dma_start3A = arith.constant 0 : i32
      %dma_start3A_103 = tpu.memref_slice %arg11[%dma_start3A] : memref<640xf32, #tpu.memory_space<vmem>> -> memref<632xf32, #tpu.memory_space<vmem>>
      %dma_start3A_104 = tpu.memref_slice %arg13[%mul3A_2] : memref<10112xf32, #tpu.memory_space<vmem_shared>> -> memref<632xf32, #tpu.memory_space<vmem_shared>>
      %dma_start3A_105 = tpu.memref_slice %arg13[%mul3A_2] : memref<10112xf32, #tpu.memory_space<vmem_shared>> -> memref<632xf32, #tpu.memory_space<vmem_shared>>
      %dma_start3A_106 = arith.constant 0 : i32
      %dma_start3A_107 = tpu.memref_slice %arg11[%dma_start3A_106] : memref<640xf32, #tpu.memory_space<vmem>> -> memref<632xf32, #tpu.memory_space<vmem>>
      tpu.enqueue_dma source(%dma_start3A_107 : memref<632xf32, #tpu.memory_space<vmem>>) target(%dma_start3A_105 : memref<632xf32, #tpu.memory_space<vmem_shared>>) target_semaphore(%run_scoped3A : memref<!tpu.dma_semaphore, #tpu.memory_space<semaphore_mem>>)
      %dma_wait3A = arith.constant 0 : i32
      %dma_wait3A_108 = tpu.memref_slice %arg11[%dma_wait3A] : memref<640xf32, #tpu.memory_space<vmem>> -> memref<632xf32, #tpu.memory_space<vmem>>
      %dma_wait3A_109 = tpu.memref_slice %arg13[%mul3A_2] : memref<10112xf32, #tpu.memory_space<vmem_shared>> -> memref<632xf32, #tpu.memory_space<vmem_shared>>
      %dma_wait3A_110 = tpu.memref_slice %arg13[%mul3A_2] : memref<10112xf32, #tpu.memory_space<vmem_shared>> -> memref<632xf32, #tpu.memory_space<vmem_shared>>
      %dma_wait3A_111 = arith.constant 0 : i32
      %dma_wait3A_112 = tpu.memref_slice %arg11[%dma_wait3A_111] : memref<640xf32, #tpu.memory_space<vmem>> -> memref<632xf32, #tpu.memory_space<vmem>>
      tpu.wait_dma2 semaphore(%run_scoped3A : memref<!tpu.dma_semaphore, #tpu.memory_space<semaphore_mem>>) src(%dma_wait3A_112 : memref<632xf32, #tpu.memory_space<vmem>>) dst(%dma_wait3A_110 : memref<632xf32, #tpu.memory_space<vmem_shared>>)
      tpu.yield
    }) : () -> ()
    %barrier3A = arith.constant 0 : index
    tpu.barrier barrier_id(%barrier3A)
    %sub3A = arith.constant 2500 : i32
    %sub3A_58 = arith.subi %sub3A, %add3A : i32
    %add3A_59 = arith.constant 32 : i32
    %add3A_60 = arith.addi %sub3A_58, %add3A_59 : i32
    %sub3A_61 = arith.constant 1 : i32
    %sub3A_62 = arith.subi %add3A_60, %sub3A_61 : i32
    %jit3A = arith.constant 32 : i32
    %div3A = arith.divsi %sub3A_62, %jit3A : i32
    %sign3A = arith.constant 0 : i32
    %sign3A_63 = arith.cmpi sgt, %sub3A_62, %sign3A : i32
    %sign3A_64 = arith.extui %sign3A_63 : i1 to i32
    %sign3A_65 = arith.constant 0 : i32
    %sign3A_66 = arith.cmpi slt, %sub3A_62, %sign3A_65 : i32
    %sign3A_67 = arith.extui %sign3A_66 : i1 to i32
    %sign3A_68 = arith.subi %sign3A_64, %sign3A_67 : i32
    %sign3A_69 = arith.constant 0 : i32
    %sign3A_70 = arith.cmpi sgt, %jit3A, %sign3A_69 : i32
    %sign3A_71 = arith.extui %sign3A_70 : i1 to i32
    %sign3A_72 = arith.constant 0 : i32
    %sign3A_73 = arith.cmpi slt, %jit3A, %sign3A_72 : i32
    %sign3A_74 = arith.extui %sign3A_73 : i1 to i32
    %sign3A_75 = arith.subi %sign3A_71, %sign3A_74 : i32
    %ne3A = arith.cmpi ne, %sign3A_68, %sign3A_75 : i32
    %rem3A = arith.remsi %sub3A_62, %jit3A : i32
    %ne3A_76 = arith.constant 0 : i32
    %ne3A_77 = arith.cmpi ne, %rem3A, %ne3A_76 : i32
    %and3A = arith.andi %ne3A, %ne3A_77 : i1
    %sub3A_78 = arith.constant 1 : i32
    %sub3A_79 = arith.subi %div3A, %sub3A_78 : i32
    %select_n3A = arith.select %and3A, %sub3A_79, %div3A : i32
    %while3A = arith.constant 0 : i32
    %while3A_80 = arith.constant 0 : i32
    %while3A_81 = arith.subi %select_n3A, %while3A_80 : i32
    %while3A_82 = arith.addi %while3A_80, %while3A_81 : i32
    %while3A_83 = arith.constant 1 : i32
    %while3A_84 = arith.divsi %while3A_81, %while3A_83 : i32
    %while3A_85 = arith.muli %while3A_84, %while3A_83 : i32
    %while3A_86 = arith.addi %while3A_80, %while3A_85 : i32
    %while3A_87 = arith.constant 1 : i32
    scf.for %while3A_103 = %while3A_80 to %while3A_86 step %while3A_87  : i32 {
      %mul3A_104 = arith.constant 32 : i32
      %mul3A_105 = arith.muli %while3A_103, %mul3A_104 : i32
      %add3A_106 = arith.addi %add3A, %mul3A_105 : i32
      "tpu.region"() ({
        %run_scoped3A_113 = tpu.sem_alloc : memref<!tpu.dma_semaphore, #tpu.memory_space<semaphore_mem>>
        %dma_start3A_114 = arith.constant 0 : i32
        %dma_start3A_115 = tpu.memref_slice %arg3[%add3A_106, %dma_start3A_114] : memref<2500x128xi32, #tpu.memory_space<hbm>> -> memref<1x128xi32, #tpu.memory_space<hbm>>
        %dma_start3A_116 = tpu.memref_squeeze %dma_start3A_115 : memref<1x128xi32, #tpu.memory_space<hbm>> -> memref<128xi32, #tpu.memory_space<hbm>>
        %dma_start3A_117 = arith.constant 0 : i32
        %dma_start3A_118 = tpu.memref_slice %arg3[%add3A_106, %dma_start3A_117] : memref<2500x128xi32, #tpu.memory_space<hbm>> -> memref<1x128xi32, #tpu.memory_space<hbm>>
        %dma_start3A_119 = tpu.memref_squeeze %dma_start3A_118 : memref<1x128xi32, #tpu.memory_space<hbm>> -> memref<128xi32, #tpu.memory_space<hbm>>
        tpu.enqueue_dma source(%dma_start3A_119 : memref<128xi32, #tpu.memory_space<hbm>>) target(%arg7 : memref<128xi32, #tpu.memory_space<vmem>>) target_semaphore(%run_scoped3A_113 : memref<!tpu.dma_semaphore, #tpu.memory_space<semaphore_mem>>)
        %dma_wait3A_120 = arith.constant 0 : i32
        %dma_wait3A_121 = tpu.memref_slice %arg3[%add3A_106, %dma_wait3A_120] : memref<2500x128xi32, #tpu.memory_space<hbm>> -> memref<1x128xi32, #tpu.memory_space<hbm>>
        %dma_wait3A_122 = tpu.memref_squeeze %dma_wait3A_121 : memref<1x128xi32, #tpu.memory_space<hbm>> -> memref<128xi32, #tpu.memory_space<hbm>>
        %dma_wait3A_123 = arith.constant 0 : i32
        %dma_wait3A_124 = tpu.memref_slice %arg3[%add3A_106, %dma_wait3A_123] : memref<2500x128xi32, #tpu.memory_space<hbm>> -> memref<1x128xi32, #tpu.memory_space<hbm>>
        %dma_wait3A_125 = tpu.memref_squeeze %dma_wait3A_124 : memref<1x128xi32, #tpu.memory_space<hbm>> -> memref<128xi32, #tpu.memory_space<hbm>>
        tpu.wait_dma2 semaphore(%run_scoped3A_113 : memref<!tpu.dma_semaphore, #tpu.memory_space<semaphore_mem>>) src(%dma_wait3A_125 : memref<128xi32, #tpu.memory_space<hbm>>) dst(%arg7 : memref<128xi32, #tpu.memory_space<vmem>>)
        tpu.yield
      }) : () -> ()
      %run_scoped3A = arith.constant 0 : i32
      "tpu.region"() ({
        %run_scoped3A_113 = tpu.sem_alloc : memref<!tpu.dma_semaphore, #tpu.memory_space<semaphore_mem>>
        %dma_start3A_114 = arith.constant 0 : i32
        %dma_start3A_115 = tpu.memref_slice %arg8[%run_scoped3A, %dma_start3A_114] : memref<1x128xi32, #tpu.memory_space<vmem>> -> memref<1x128xi32, #tpu.memory_space<vmem>>
        %dma_start3A_116 = tpu.memref_squeeze %dma_start3A_115 : memref<1x128xi32, #tpu.memory_space<vmem>> -> memref<128xi32, #tpu.memory_space<vmem>>
        %dma_start3A_117 = arith.constant 0 : i32
        %dma_start3A_118 = tpu.memref_slice %arg4[%add3A_106, %dma_start3A_117] : memref<2500x128xi32, #tpu.memory_space<hbm>> -> memref<1x128xi32, #tpu.memory_space<hbm>>
        %dma_start3A_119 = tpu.memref_squeeze %dma_start3A_118 : memref<1x128xi32, #tpu.memory_space<hbm>> -> memref<128xi32, #tpu.memory_space<hbm>>
        %dma_start3A_120 = arith.constant 0 : i32
        %dma_start3A_121 = tpu.memref_slice %arg8[%run_scoped3A, %dma_start3A_120] : memref<1x128xi32, #tpu.memory_space<vmem>> -> memref<1x128xi32, #tpu.memory_space<vmem>>
        %dma_start3A_122 = tpu.memref_squeeze %dma_start3A_121 : memref<1x128xi32, #tpu.memory_space<vmem>> -> memref<128xi32, #tpu.memory_space<vmem>>
        %dma_start3A_123 = arith.constant 0 : i32
        %dma_start3A_124 = tpu.memref_slice %arg4[%add3A_106, %dma_start3A_123] : memref<2500x128xi32, #tpu.memory_space<hbm>> -> memref<1x128xi32, #tpu.memory_space<hbm>>
        %dma_start3A_125 = tpu.memref_squeeze %dma_start3A_124 : memref<1x128xi32, #tpu.memory_space<hbm>> -> memref<128xi32, #tpu.memory_space<hbm>>
        tpu.enqueue_dma source(%dma_start3A_125 : memref<128xi32, #tpu.memory_space<hbm>>) target(%dma_start3A_122 : memref<128xi32, #tpu.memory_space<vmem>>) target_semaphore(%run_scoped3A_113 : memref<!tpu.dma_semaphore, #tpu.memory_space<semaphore_mem>>)
        %dma_wait3A_126 = arith.constant 0 : i32
        %dma_wait3A_127 = tpu.memref_slice %arg8[%run_scoped3A, %dma_wait3A_126] : memref<1x128xi32, #tpu.memory_space<vmem>> -> memref<1x128xi32, #tpu.memory_space<vmem>>
        %dma_wait3A_128 = tpu.memref_squeeze %dma_wait3A_127 : memref<1x128xi32, #tpu.memory_space<vmem>> -> memref<128xi32, #tpu.memory_space<vmem>>
        %dma_wait3A_129 = arith.constant 0 : i32
        %dma_wait3A_130 = tpu.memref_slice %arg4[%add3A_106, %dma_wait3A_129] : memref<2500x128xi32, #tpu.memory_space<hbm>> -> memref<1x128xi32, #tpu.memory_space<hbm>>
        %dma_wait3A_131 = tpu.memref_squeeze %dma_wait3A_130 : memref<1x128xi32, #tpu.memory_space<hbm>> -> memref<128xi32, #tpu.memory_space<hbm>>
        %dma_wait3A_132 = arith.constant 0 : i32
        %dma_wait3A_133 = tpu.memref_slice %arg8[%run_scoped3A, %dma_wait3A_132] : memref<1x128xi32, #tpu.memory_space<vmem>> -> memref<1x128xi32, #tpu.memory_space<vmem>>
        %dma_wait3A_134 = tpu.memref_squeeze %dma_wait3A_133 : memref<1x128xi32, #tpu.memory_space<vmem>> -> memref<128xi32, #tpu.memory_space<vmem>>
        %dma_wait3A_135 = arith.constant 0 : i32
        %dma_wait3A_136 = tpu.memref_slice %arg4[%add3A_106, %dma_wait3A_135] : memref<2500x128xi32, #tpu.memory_space<hbm>> -> memref<1x128xi32, #tpu.memory_space<hbm>>
        %dma_wait3A_137 = tpu.memref_squeeze %dma_wait3A_136 : memref<1x128xi32, #tpu.memory_space<hbm>> -> memref<128xi32, #tpu.memory_space<hbm>>
        tpu.wait_dma2 semaphore(%run_scoped3A_113 : memref<!tpu.dma_semaphore, #tpu.memory_space<semaphore_mem>>) src(%dma_wait3A_137 : memref<128xi32, #tpu.memory_space<hbm>>) dst(%dma_wait3A_134 : memref<128xi32, #tpu.memory_space<vmem>>)
        tpu.yield
      }) : () -> ()
      %dma_start3A = arith.constant 0 : i32
      %dma_start3A_107 = arith.constant 0 : i32
      %dma_start3A_108 = tpu.memref_slice %arg2[%dma_start3A, %dma_start3A_107] : memref<10000x128xf32, #tpu.memory_space<hbm>> -> memref<10000x128xf32, #tpu.memory_space<hbm>>
      tpu.enqueue_indirect_dma source(%dma_start3A_108 : memref<10000x128xf32, #tpu.memory_space<hbm>>) target(%arg9 : memref<128x128xf32, #tpu.memory_space<vmem>>) offsets(%arg7 : memref<128xi32, #tpu.memory_space<vmem>>) semaphore(%arg14 : memref<!tpu.dma_semaphore, #tpu.memory_space<semaphore_mem>>)
      %dma_wait3A = arith.constant 0 : i32
      %dma_wait3A_109 = arith.constant 0 : i32
      %dma_wait3A_110 = tpu.memref_slice %arg2[%dma_wait3A, %dma_wait3A_109] : memref<10000x128xf32, #tpu.memory_space<hbm>> -> memref<10000x128xf32, #tpu.memory_space<hbm>>
      tpu.wait_indirect_dma semaphore(%arg14 : memref<!tpu.dma_semaphore, #tpu.memory_space<semaphore_mem>>) src(%dma_wait3A_110 : memref<10000x128xf32, #tpu.memory_space<hbm>>) dst(%arg9 : memref<128x128xf32, #tpu.memory_space<vmem>>)
      %run_scoped3A_111 = arith.constant 0 : i32
      "tpu.region"() ({
        %run_scoped3A_113 = tpu.sem_alloc : memref<!tpu.dma_semaphore, #tpu.memory_space<semaphore_mem>>
        %dma_start3A_114 = arith.constant 0 : i32
        %dma_start3A_115 = tpu.memref_slice %arg8[%run_scoped3A_111, %dma_start3A_114] : memref<1x128xi32, #tpu.memory_space<vmem>> -> memref<1x128xi32, #tpu.memory_space<vmem>>
        %dma_start3A_116 = tpu.memref_squeeze %dma_start3A_115 : memref<1x128xi32, #tpu.memory_space<vmem>> -> memref<128xi32, #tpu.memory_space<vmem>>
        %dma_start3A_117 = arith.constant 0 : i32
        %dma_start3A_118 = arith.constant 0 : i32
        %dma_start3A_119 = tpu.memref_slice %arg12[%dma_start3A_117, %dma_start3A_118] : memref<10112x128xf32, #tpu.memory_space<vmem_shared>> -> memref<10112x128xf32, #tpu.memory_space<vmem_shared>>
        tpu.enqueue_indirect_dma source(%arg9 : memref<128x128xf32, #tpu.memory_space<vmem>>) target(%dma_start3A_119 : memref<10112x128xf32, #tpu.memory_space<vmem_shared>>) offsets(%dma_start3A_116 : memref<128xi32, #tpu.memory_space<vmem>>) semaphore(%run_scoped3A_113 : memref<!tpu.dma_semaphore, #tpu.memory_space<semaphore_mem>>) {add = true}
        %dma_wait3A_120 = arith.constant 0 : i32
        %dma_wait3A_121 = tpu.memref_slice %arg8[%run_scoped3A_111, %dma_wait3A_120] : memref<1x128xi32, #tpu.memory_space<vmem>> -> memref<1x128xi32, #tpu.memory_space<vmem>>
        %dma_wait3A_122 = tpu.memref_squeeze %dma_wait3A_121 : memref<1x128xi32, #tpu.memory_space<vmem>> -> memref<128xi32, #tpu.memory_space<vmem>>
        %dma_wait3A_123 = arith.constant 0 : i32
        %dma_wait3A_124 = arith.constant 0 : i32
        %dma_wait3A_125 = tpu.memref_slice %arg12[%dma_wait3A_123, %dma_wait3A_124] : memref<10112x128xf32, #tpu.memory_space<vmem_shared>> -> memref<10112x128xf32, #tpu.memory_space<vmem_shared>>
        tpu.wait_indirect_dma semaphore(%run_scoped3A_113 : memref<!tpu.dma_semaphore, #tpu.memory_space<semaphore_mem>>) src(%arg9 : memref<128x128xf32, #tpu.memory_space<vmem>>) dst(%dma_wait3A_125 : memref<10112x128xf32, #tpu.memory_space<vmem_shared>>)
        tpu.yield
      }) : () -> ()
      %run_scoped3A_112 = arith.constant 0 : i32
      "tpu.region"() ({
        %run_scoped3A_113 = tpu.sem_alloc : memref<!tpu.dma_semaphore, #tpu.memory_space<semaphore_mem>>
        %dma_start3A_114 = arith.constant 0 : i32
        %dma_start3A_115 = tpu.memref_slice %arg8[%run_scoped3A_112, %dma_start3A_114] : memref<1x128xi32, #tpu.memory_space<vmem>> -> memref<1x128xi32, #tpu.memory_space<vmem>>
        %dma_start3A_116 = tpu.memref_squeeze %dma_start3A_115 : memref<1x128xi32, #tpu.memory_space<vmem>> -> memref<128xi32, #tpu.memory_space<vmem>>
        %dma_start3A_117 = arith.constant 0 : i32
        %dma_start3A_118 = tpu.memref_slice %arg13[%dma_start3A_117] : memref<10112xf32, #tpu.memory_space<vmem_shared>> -> memref<10112xf32, #tpu.memory_space<vmem_shared>>
        tpu.enqueue_indirect_dma source(%arg10 : memref<128xf32, #tpu.memory_space<vmem>>) target(%dma_start3A_118 : memref<10112xf32, #tpu.memory_space<vmem_shared>>) offsets(%dma_start3A_116 : memref<128xi32, #tpu.memory_space<vmem>>) semaphore(%run_scoped3A_113 : memref<!tpu.dma_semaphore, #tpu.memory_space<semaphore_mem>>) {add = true}
        %dma_wait3A_119 = arith.constant 0 : i32
        %dma_wait3A_120 = tpu.memref_slice %arg8[%run_scoped3A_112, %dma_wait3A_119] : memref<1x128xi32, #tpu.memory_space<vmem>> -> memref<1x128xi32, #tpu.memory_space<vmem>>
        %dma_wait3A_121 = tpu.memref_squeeze %dma_wait3A_120 : memref<1x128xi32, #tpu.memory_space<vmem>> -> memref<128xi32, #tpu.memory_space<vmem>>
        %dma_wait3A_122 = arith.constant 0 : i32
        %dma_wait3A_123 = tpu.memref_slice %arg13[%dma_wait3A_122] : memref<10112xf32, #tpu.memory_space<vmem_shared>> -> memref<10112xf32, #tpu.memory_space<vmem_shared>>
        tpu.wait_indirect_dma semaphore(%run_scoped3A_113 : memref<!tpu.dma_semaphore, #tpu.memory_space<semaphore_mem>>) src(%arg10 : memref<128xf32, #tpu.memory_space<vmem>>) dst(%dma_wait3A_123 : memref<10112xf32, #tpu.memory_space<vmem_shared>>)
        tpu.yield
      }) : () -> ()
    }
    %while3A_88 = arith.constant 1 : i32
    scf.for %while3A_103 = %while3A_86 to %while3A_82 step %while3A_88  : i32 {
      %mul3A_104 = arith.constant 32 : i32
      %mul3A_105 = arith.muli %while3A_103, %mul3A_104 : i32
      %add3A_106 = arith.addi %add3A, %mul3A_105 : i32
      "tpu.region"() ({
        %run_scoped3A_113 = tpu.sem_alloc : memref<!tpu.dma_semaphore, #tpu.memory_space<semaphore_mem>>
        %dma_start3A_114 = arith.constant 0 : i32
        %dma_start3A_115 = tpu.memref_slice %arg3[%add3A_106, %dma_start3A_114] : memref<2500x128xi32, #tpu.memory_space<hbm>> -> memref<1x128xi32, #tpu.memory_space<hbm>>
        %dma_start3A_116 = tpu.memref_squeeze %dma_start3A_115 : memref<1x128xi32, #tpu.memory_space<hbm>> -> memref<128xi32, #tpu.memory_space<hbm>>
        %dma_start3A_117 = arith.constant 0 : i32
        %dma_start3A_118 = tpu.memref_slice %arg3[%add3A_106, %dma_start3A_117] : memref<2500x128xi32, #tpu.memory_space<hbm>> -> memref<1x128xi32, #tpu.memory_space<hbm>>
        %dma_start3A_119 = tpu.memref_squeeze %dma_start3A_118 : memref<1x128xi32, #tpu.memory_space<hbm>> -> memref<128xi32, #tpu.memory_space<hbm>>
        tpu.enqueue_dma source(%dma_start3A_119 : memref<128xi32, #tpu.memory_space<hbm>>) target(%arg7 : memref<128xi32, #tpu.memory_space<vmem>>) target_semaphore(%run_scoped3A_113 : memref<!tpu.dma_semaphore, #tpu.memory_space<semaphore_mem>>)
        %dma_wait3A_120 = arith.constant 0 : i32
        %dma_wait3A_121 = tpu.memref_slice %arg3[%add3A_106, %dma_wait3A_120] : memref<2500x128xi32, #tpu.memory_space<hbm>> -> memref<1x128xi32, #tpu.memory_space<hbm>>
        %dma_wait3A_122 = tpu.memref_squeeze %dma_wait3A_121 : memref<1x128xi32, #tpu.memory_space<hbm>> -> memref<128xi32, #tpu.memory_space<hbm>>
        %dma_wait3A_123 = arith.constant 0 : i32
        %dma_wait3A_124 = tpu.memref_slice %arg3[%add3A_106, %dma_wait3A_123] : memref<2500x128xi32, #tpu.memory_space<hbm>> -> memref<1x128xi32, #tpu.memory_space<hbm>>
        %dma_wait3A_125 = tpu.memref_squeeze %dma_wait3A_124 : memref<1x128xi32, #tpu.memory_space<hbm>> -> memref<128xi32, #tpu.memory_space<hbm>>
        tpu.wait_dma2 semaphore(%run_scoped3A_113 : memref<!tpu.dma_semaphore, #tpu.memory_space<semaphore_mem>>) src(%dma_wait3A_125 : memref<128xi32, #tpu.memory_space<hbm>>) dst(%arg7 : memref<128xi32, #tpu.memory_space<vmem>>)
        tpu.yield
      }) : () -> ()
      %run_scoped3A = arith.constant 0 : i32
      "tpu.region"() ({
        %run_scoped3A_113 = tpu.sem_alloc : memref<!tpu.dma_semaphore, #tpu.memory_space<semaphore_mem>>
        %dma_start3A_114 = arith.constant 0 : i32
        %dma_start3A_115 = tpu.memref_slice %arg8[%run_scoped3A, %dma_start3A_114] : memref<1x128xi32, #tpu.memory_space<vmem>> -> memref<1x128xi32, #tpu.memory_space<vmem>>
        %dma_start3A_116 = tpu.memref_squeeze %dma_start3A_115 : memref<1x128xi32, #tpu.memory_space<vmem>> -> memref<128xi32, #tpu.memory_space<vmem>>
        %dma_start3A_117 = arith.constant 0 : i32
        %dma_start3A_118 = tpu.memref_slice %arg4[%add3A_106, %dma_start3A_117] : memref<2500x128xi32, #tpu.memory_space<hbm>> -> memref<1x128xi32, #tpu.memory_space<hbm>>
        %dma_start3A_119 = tpu.memref_squeeze %dma_start3A_118 : memref<1x128xi32, #tpu.memory_space<hbm>> -> memref<128xi32, #tpu.memory_space<hbm>>
        %dma_start3A_120 = arith.constant 0 : i32
        %dma_start3A_121 = tpu.memref_slice %arg8[%run_scoped3A, %dma_start3A_120] : memref<1x128xi32, #tpu.memory_space<vmem>> -> memref<1x128xi32, #tpu.memory_space<vmem>>
        %dma_start3A_122 = tpu.memref_squeeze %dma_start3A_121 : memref<1x128xi32, #tpu.memory_space<vmem>> -> memref<128xi32, #tpu.memory_space<vmem>>
        %dma_start3A_123 = arith.constant 0 : i32
        %dma_start3A_124 = tpu.memref_slice %arg4[%add3A_106, %dma_start3A_123] : memref<2500x128xi32, #tpu.memory_space<hbm>> -> memref<1x128xi32, #tpu.memory_space<hbm>>
        %dma_start3A_125 = tpu.memref_squeeze %dma_start3A_124 : memref<1x128xi32, #tpu.memory_space<hbm>> -> memref<128xi32, #tpu.memory_space<hbm>>
        tpu.enqueue_dma source(%dma_start3A_125 : memref<128xi32, #tpu.memory_space<hbm>>) target(%dma_start3A_122 : memref<128xi32, #tpu.memory_space<vmem>>) target_semaphore(%run_scoped3A_113 : memref<!tpu.dma_semaphore, #tpu.memory_space<semaphore_mem>>)
        %dma_wait3A_126 = arith.constant 0 : i32
        %dma_wait3A_127 = tpu.memref_slice %arg8[%run_scoped3A, %dma_wait3A_126] : memref<1x128xi32, #tpu.memory_space<vmem>> -> memref<1x128xi32, #tpu.memory_space<vmem>>
        %dma_wait3A_128 = tpu.memref_squeeze %dma_wait3A_127 : memref<1x128xi32, #tpu.memory_space<vmem>> -> memref<128xi32, #tpu.memory_space<vmem>>
        %dma_wait3A_129 = arith.constant 0 : i32
        %dma_wait3A_130 = tpu.memref_slice %arg4[%add3A_106, %dma_wait3A_129] : memref<2500x128xi32, #tpu.memory_space<hbm>> -> memref<1x128xi32, #tpu.memory_space<hbm>>
        %dma_wait3A_131 = tpu.memref_squeeze %dma_wait3A_130 : memref<1x128xi32, #tpu.memory_space<hbm>> -> memref<128xi32, #tpu.memory_space<hbm>>
        %dma_wait3A_132 = arith.constant 0 : i32
        %dma_wait3A_133 = tpu.memref_slice %arg8[%run_scoped3A, %dma_wait3A_132] : memref<1x128xi32, #tpu.memory_space<vmem>> -> memref<1x128xi32, #tpu.memory_space<vmem>>
        %dma_wait3A_134 = tpu.memref_squeeze %dma_wait3A_133 : memref<1x128xi32, #tpu.memory_space<vmem>> -> memref<128xi32, #tpu.memory_space<vmem>>
        %dma_wait3A_135 = arith.constant 0 : i32
        %dma_wait3A_136 = tpu.memref_slice %arg4[%add3A_106, %dma_wait3A_135] : memref<2500x128xi32, #tpu.memory_space<hbm>> -> memref<1x128xi32, #tpu.memory_space<hbm>>
        %dma_wait3A_137 = tpu.memref_squeeze %dma_wait3A_136 : memref<1x128xi32, #tpu.memory_space<hbm>> -> memref<128xi32, #tpu.memory_space<hbm>>
        tpu.wait_dma2 semaphore(%run_scoped3A_113 : memref<!tpu.dma_semaphore, #tpu.memory_space<semaphore_mem>>) src(%dma_wait3A_137 : memref<128xi32, #tpu.memory_space<hbm>>) dst(%dma_wait3A_134 : memref<128xi32, #tpu.memory_space<vmem>>)
        tpu.yield
      }) : () -> ()
      %dma_start3A = arith.constant 0 : i32
      %dma_start3A_107 = arith.constant 0 : i32
      %dma_start3A_108 = tpu.memref_slice %arg2[%dma_start3A, %dma_start3A_107] : memref<10000x128xf32, #tpu.memory_space<hbm>> -> memref<10000x128xf32, #tpu.memory_space<hbm>>
      tpu.enqueue_indirect_dma source(%dma_start3A_108 : memref<10000x128xf32, #tpu.memory_space<hbm>>) target(%arg9 : memref<128x128xf32, #tpu.memory_space<vmem>>) offsets(%arg7 : memref<128xi32, #tpu.memory_space<vmem>>) semaphore(%arg14 : memref<!tpu.dma_semaphore, #tpu.memory_space<semaphore_mem>>)
      %dma_wait3A = arith.constant 0 : i32
      %dma_wait3A_109 = arith.constant 0 : i32
      %dma_wait3A_110 = tpu.memref_slice %arg2[%dma_wait3A, %dma_wait3A_109] : memref<10000x128xf32, #tpu.memory_space<hbm>> -> memref<10000x128xf32, #tpu.memory_space<hbm>>
      tpu.wait_indirect_dma semaphore(%arg14 : memref<!tpu.dma_semaphore, #tpu.memory_space<semaphore_mem>>) src(%dma_wait3A_110 : memref<10000x128xf32, #tpu.memory_space<hbm>>) dst(%arg9 : memref<128x128xf32, #tpu.memory_space<vmem>>)
      %run_scoped3A_111 = arith.constant 0 : i32
      "tpu.region"() ({
        %run_scoped3A_113 = tpu.sem_alloc : memref<!tpu.dma_semaphore, #tpu.memory_space<semaphore_mem>>
        %dma_start3A_114 = arith.constant 0 : i32
        %dma_start3A_115 = tpu.memref_slice %arg8[%run_scoped3A_111, %dma_start3A_114] : memref<1x128xi32, #tpu.memory_space<vmem>> -> memref<1x128xi32, #tpu.memory_space<vmem>>
        %dma_start3A_116 = tpu.memref_squeeze %dma_start3A_115 : memref<1x128xi32, #tpu.memory_space<vmem>> -> memref<128xi32, #tpu.memory_space<vmem>>
        %dma_start3A_117 = arith.constant 0 : i32
        %dma_start3A_118 = arith.constant 0 : i32
        %dma_start3A_119 = tpu.memref_slice %arg12[%dma_start3A_117, %dma_start3A_118] : memref<10112x128xf32, #tpu.memory_space<vmem_shared>> -> memref<10112x128xf32, #tpu.memory_space<vmem_shared>>
        tpu.enqueue_indirect_dma source(%arg9 : memref<128x128xf32, #tpu.memory_space<vmem>>) target(%dma_start3A_119 : memref<10112x128xf32, #tpu.memory_space<vmem_shared>>) offsets(%dma_start3A_116 : memref<128xi32, #tpu.memory_space<vmem>>) semaphore(%run_scoped3A_113 : memref<!tpu.dma_semaphore, #tpu.memory_space<semaphore_mem>>) {add = true}
        %dma_wait3A_120 = arith.constant 0 : i32
        %dma_wait3A_121 = tpu.memref_slice %arg8[%run_scoped3A_111, %dma_wait3A_120] : memref<1x128xi32, #tpu.memory_space<vmem>> -> memref<1x128xi32, #tpu.memory_space<vmem>>
        %dma_wait3A_122 = tpu.memref_squeeze %dma_wait3A_121 : memref<1x128xi32, #tpu.memory_space<vmem>> -> memref<128xi32, #tpu.memory_space<vmem>>
        %dma_wait3A_123 = arith.constant 0 : i32
        %dma_wait3A_124 = arith.constant 0 : i32
        %dma_wait3A_125 = tpu.memref_slice %arg12[%dma_wait3A_123, %dma_wait3A_124] : memref<10112x128xf32, #tpu.memory_space<vmem_shared>> -> memref<10112x128xf32, #tpu.memory_space<vmem_shared>>
        tpu.wait_indirect_dma semaphore(%run_scoped3A_113 : memref<!tpu.dma_semaphore, #tpu.memory_space<semaphore_mem>>) src(%arg9 : memref<128x128xf32, #tpu.memory_space<vmem>>) dst(%dma_wait3A_125 : memref<10112x128xf32, #tpu.memory_space<vmem_shared>>)
        tpu.yield
      }) : () -> ()
      %run_scoped3A_112 = arith.constant 0 : i32
      "tpu.region"() ({
        %run_scoped3A_113 = tpu.sem_alloc : memref<!tpu.dma_semaphore, #tpu.memory_space<semaphore_mem>>
        %dma_start3A_114 = arith.constant 0 : i32
        %dma_start3A_115 = tpu.memref_slice %arg8[%run_scoped3A_112, %dma_start3A_114] : memref<1x128xi32, #tpu.memory_space<vmem>> -> memref<1x128xi32, #tpu.memory_space<vmem>>
        %dma_start3A_116 = tpu.memref_squeeze %dma_start3A_115 : memref<1x128xi32, #tpu.memory_space<vmem>> -> memref<128xi32, #tpu.memory_space<vmem>>
        %dma_start3A_117 = arith.constant 0 : i32
        %dma_start3A_118 = tpu.memref_slice %arg13[%dma_start3A_117] : memref<10112xf32, #tpu.memory_space<vmem_shared>> -> memref<10112xf32, #tpu.memory_space<vmem_shared>>
        tpu.enqueue_indirect_dma source(%arg10 : memref<128xf32, #tpu.memory_space<vmem>>) target(%dma_start3A_118 : memref<10112xf32, #tpu.memory_space<vmem_shared>>) offsets(%dma_start3A_116 : memref<128xi32, #tpu.memory_space<vmem>>) semaphore(%run_scoped3A_113 : memref<!tpu.dma_semaphore, #tpu.memory_space<semaphore_mem>>) {add = true}
        %dma_wait3A_119 = arith.constant 0 : i32
        %dma_wait3A_120 = tpu.memref_slice %arg8[%run_scoped3A_112, %dma_wait3A_119] : memref<1x128xi32, #tpu.memory_space<vmem>> -> memref<1x128xi32, #tpu.memory_space<vmem>>
        %dma_wait3A_121 = tpu.memref_squeeze %dma_wait3A_120 : memref<1x128xi32, #tpu.memory_space<vmem>> -> memref<128xi32, #tpu.memory_space<vmem>>
        %dma_wait3A_122 = arith.constant 0 : i32
        %dma_wait3A_123 = tpu.memref_slice %arg13[%dma_wait3A_122] : memref<10112xf32, #tpu.memory_space<vmem_shared>> -> memref<10112xf32, #tpu.memory_space<vmem_shared>>
        tpu.wait_indirect_dma semaphore(%run_scoped3A_113 : memref<!tpu.dma_semaphore, #tpu.memory_space<semaphore_mem>>) src(%arg10 : memref<128xf32, #tpu.memory_space<vmem>>) dst(%dma_wait3A_123 : memref<10112xf32, #tpu.memory_space<vmem_shared>>)
        tpu.yield
      }) : () -> ()
    }
    %barrier3A_89 = arith.constant 0 : index
    tpu.barrier barrier_id(%barrier3A_89)
    %add3A_90 = arith.constant 0 : i32
    %add3A_91 = arith.addi %mul3A_2, %add3A_90 : i32
    "tpu.region"() ({
      %run_scoped3A = tpu.sem_alloc : memref<!tpu.dma_semaphore, #tpu.memory_space<semaphore_mem>>
      %dma_start3A = arith.constant 0 : i32
      %dma_start3A_103 = arith.constant 0 : i32
      %dma_start3A_104 = tpu.memref_slice %arg9[%dma_start3A, %dma_start3A_103] : memref<128x128xf32, #tpu.memory_space<vmem>> -> memref<128x128xf32, #tpu.memory_space<vmem>>
      %dma_start3A_105 = arith.constant 0 : i32
      %dma_start3A_106 = tpu.memref_slice %arg12[%add3A_91, %dma_start3A_105] : memref<10112x128xf32, #tpu.memory_space<vmem_shared>> -> memref<128x128xf32, #tpu.memory_space<vmem_shared>>
      %dma_start3A_107 = arith.constant 0 : i32
      %dma_start3A_108 = arith.constant 0 : i32
      %dma_start3A_109 = tpu.memref_slice %arg9[%dma_start3A_107, %dma_start3A_108] : memref<128x128xf32, #tpu.memory_space<vmem>> -> memref<128x128xf32, #tpu.memory_space<vmem>>
      %dma_start3A_110 = arith.constant 0 : i32
      %dma_start3A_111 = tpu.memref_slice %arg12[%add3A_91, %dma_start3A_110] : memref<10112x128xf32, #tpu.memory_space<vmem_shared>> -> memref<128x128xf32, #tpu.memory_space<vmem_shared>>
      tpu.enqueue_dma source(%dma_start3A_111 : memref<128x128xf32, #tpu.memory_space<vmem_shared>>) target(%dma_start3A_109 : memref<128x128xf32, #tpu.memory_space<vmem>>) target_semaphore(%run_scoped3A : memref<!tpu.dma_semaphore, #tpu.memory_space<semaphore_mem>>)
      %dma_wait3A = arith.constant 0 : i32
      %dma_wait3A_112 = arith.constant 0 : i32
      %dma_wait3A_113 = tpu.memref_slice %arg9[%dma_wait3A, %dma_wait3A_112] : memref<128x128xf32, #tpu.memory_space<vmem>> -> memref<128x128xf32, #tpu.memory_space<vmem>>
      %dma_wait3A_114 = arith.constant 0 : i32
      %dma_wait3A_115 = tpu.memref_slice %arg12[%add3A_91, %dma_wait3A_114] : memref<10112x128xf32, #tpu.memory_space<vmem_shared>> -> memref<128x128xf32, #tpu.memory_space<vmem_shared>>
      %dma_wait3A_116 = arith.constant 0 : i32
      %dma_wait3A_117 = arith.constant 0 : i32
      %dma_wait3A_118 = tpu.memref_slice %arg9[%dma_wait3A_116, %dma_wait3A_117] : memref<128x128xf32, #tpu.memory_space<vmem>> -> memref<128x128xf32, #tpu.memory_space<vmem>>
      %dma_wait3A_119 = arith.constant 0 : i32
      %dma_wait3A_120 = tpu.memref_slice %arg12[%add3A_91, %dma_wait3A_119] : memref<10112x128xf32, #tpu.memory_space<vmem_shared>> -> memref<128x128xf32, #tpu.memory_space<vmem_shared>>
      tpu.wait_dma2 semaphore(%run_scoped3A : memref<!tpu.dma_semaphore, #tpu.memory_space<semaphore_mem>>) src(%dma_wait3A_120 : memref<128x128xf32, #tpu.memory_space<vmem_shared>>) dst(%dma_wait3A_118 : memref<128x128xf32, #tpu.memory_space<vmem>>)
      tpu.yield
    }) : () -> ()
    "tpu.region"() ({
      %run_scoped3A = tpu.sem_alloc : memref<!tpu.dma_semaphore, #tpu.memory_space<semaphore_mem>>
      %dma_start3A = arith.constant 0 : i32
      %dma_start3A_103 = arith.constant 0 : i32
      %dma_start3A_104 = tpu.memref_slice %arg9[%dma_start3A, %dma_start3A_103] : memref<128x128xf32, #tpu.memory_space<vmem>> -> memref<128x128xf32, #tpu.memory_space<vmem>>
      %dma_start3A_105 = arith.constant 0 : i32
      %dma_start3A_106 = tpu.memref_slice %arg5[%arg0, %add3A_91, %dma_start3A_105] : memref<2x10112x128xf32, #tpu.memory_space<hbm>> -> memref<1x128x128xf32, #tpu.memory_space<hbm>>
      %dma_start3A_107 = tpu.memref_squeeze %dma_start3A_106 : memref<1x128x128xf32, #tpu.memory_space<hbm>> -> memref<128x128xf32, #tpu.memory_space<hbm>>
      %dma_start3A_108 = arith.constant 0 : i32
      %dma_start3A_109 = tpu.memref_slice %arg5[%arg0, %add3A_91, %dma_start3A_108] : memref<2x10112x128xf32, #tpu.memory_space<hbm>> -> memref<1x128x128xf32, #tpu.memory_space<hbm>>
      %dma_start3A_110 = tpu.memref_squeeze %dma_start3A_109 : memref<1x128x128xf32, #tpu.memory_space<hbm>> -> memref<128x128xf32, #tpu.memory_space<hbm>>
      %dma_start3A_111 = arith.constant 0 : i32
      %dma_start3A_112 = arith.constant 0 : i32
      %dma_start3A_113 = tpu.memref_slice %arg9[%dma_start3A_111, %dma_start3A_112] : memref<128x128xf32, #tpu.memory_space<vmem>> -> memref<128x128xf32, #tpu.memory_space<vmem>>
      tpu.enqueue_dma source(%dma_start3A_113 : memref<128x128xf32, #tpu.memory_space<vmem>>) target(%dma_start3A_110 : memref<128x128xf32, #tpu.memory_space<hbm>>) target_semaphore(%run_scoped3A : memref<!tpu.dma_semaphore, #tpu.memory_space<semaphore_mem>>)
      %dma_wait3A = arith.constant 0 : i32
      %dma_wait3A_114 = arith.constant 0 : i32
      %dma_wait3A_115 = tpu.memref_slice %arg9[%dma_wait3A, %dma_wait3A_114] : memref<128x128xf32, #tpu.memory_space<vmem>> -> memref<128x128xf32, #tpu.memory_space<vmem>>
      %dma_wait3A_116 = arith.constant 0 : i32
      %dma_wait3A_117 = tpu.memref_slice %arg5[%arg0, %add3A_91, %dma_wait3A_116] : memref<2x10112x128xf32, #tpu.memory_space<hbm>> -> memref<1x128x128xf32, #tpu.memory_space<hbm>>
      %dma_wait3A_118 = tpu.memref_squeeze %dma_wait3A_117 : memref<1x128x128xf32, #tpu.memory_space<hbm>> -> memref<128x128xf32, #tpu.memory_space<hbm>>
      %dma_wait3A_119 = arith.constant 0 : i32
      %dma_wait3A_120 = tpu.memref_slice %arg5[%arg0, %add3A_91, %dma_wait3A_119] : memref<2x10112x128xf32, #tpu.memory_space<hbm>> -> memref<1x128x128xf32, #tpu.memory_space<hbm>>
      %dma_wait3A_121 = tpu.memref_squeeze %dma_wait3A_120 : memref<1x128x128xf32, #tpu.memory_space<hbm>> -> memref<128x128xf32, #tpu.memory_space<hbm>>
      %dma_wait3A_122 = arith.constant 0 : i32
      %dma_wait3A_123 = arith.constant 0 : i32
      %dma_wait3A_124 = tpu.memref_slice %arg9[%dma_wait3A_122, %dma_wait3A_123] : memref<128x128xf32, #tpu.memory_space<vmem>> -> memref<128x128xf32, #tpu.memory_space<vmem>>
      tpu.wait_dma2 semaphore(%run_scoped3A : memref<!tpu.dma_semaphore, #tpu.memory_space<semaphore_mem>>) src(%dma_wait3A_124 : memref<128x128xf32, #tpu.memory_space<vmem>>) dst(%dma_wait3A_121 : memref<128x128xf32, #tpu.memory_space<hbm>>)
      tpu.yield
    }) : () -> ()
    %add3A_92 = arith.constant 128 : i32
    %add3A_93 = arith.addi %mul3A_2, %add3A_92 : i32
    "tpu.region"() ({
      %run_scoped3A = tpu.sem_alloc : memref<!tpu.dma_semaphore, #tpu.memory_space<semaphore_mem>>
      %dma_start3A = arith.constant 0 : i32
      %dma_start3A_103 = arith.constant 0 : i32
      %dma_start3A_104 = tpu.memref_slice %arg9[%dma_start3A, %dma_start3A_103] : memref<128x128xf32, #tpu.memory_space<vmem>> -> memref<128x128xf32, #tpu.memory_space<vmem>>
      %dma_start3A_105 = arith.constant 0 : i32
      %dma_start3A_106 = tpu.memref_slice %arg12[%add3A_93, %dma_start3A_105] : memref<10112x128xf32, #tpu.memory_space<vmem_shared>> -> memref<128x128xf32, #tpu.memory_space<vmem_shared>>
      %dma_start3A_107 = arith.constant 0 : i32
      %dma_start3A_108 = arith.constant 0 : i32
      %dma_start3A_109 = tpu.memref_slice %arg9[%dma_start3A_107, %dma_start3A_108] : memref<128x128xf32, #tpu.memory_space<vmem>> -> memref<128x128xf32, #tpu.memory_space<vmem>>
      %dma_start3A_110 = arith.constant 0 : i32
      %dma_start3A_111 = tpu.memref_slice %arg12[%add3A_93, %dma_start3A_110] : memref<10112x128xf32, #tpu.memory_space<vmem_shared>> -> memref<128x128xf32, #tpu.memory_space<vmem_shared>>
      tpu.enqueue_dma source(%dma_start3A_111 : memref<128x128xf32, #tpu.memory_space<vmem_shared>>) target(%dma_start3A_109 : memref<128x128xf32, #tpu.memory_space<vmem>>) target_semaphore(%run_scoped3A : memref<!tpu.dma_semaphore, #tpu.memory_space<semaphore_mem>>)
      %dma_wait3A = arith.constant 0 : i32
      %dma_wait3A_112 = arith.constant 0 : i32
      %dma_wait3A_113 = tpu.memref_slice %arg9[%dma_wait3A, %dma_wait3A_112] : memref<128x128xf32, #tpu.memory_space<vmem>> -> memref<128x128xf32, #tpu.memory_space<vmem>>
      %dma_wait3A_114 = arith.constant 0 : i32
      %dma_wait3A_115 = tpu.memref_slice %arg12[%add3A_93, %dma_wait3A_114] : memref<10112x128xf32, #tpu.memory_space<vmem_shared>> -> memref<128x128xf32, #tpu.memory_space<vmem_shared>>
      %dma_wait3A_116 = arith.constant 0 : i32
      %dma_wait3A_117 = arith.constant 0 : i32
      %dma_wait3A_118 = tpu.memref_slice %arg9[%dma_wait3A_116, %dma_wait3A_117] : memref<128x128xf32, #tpu.memory_space<vmem>> -> memref<128x128xf32, #tpu.memory_space<vmem>>
      %dma_wait3A_119 = arith.constant 0 : i32
      %dma_wait3A_120 = tpu.memref_slice %arg12[%add3A_93, %dma_wait3A_119] : memref<10112x128xf32, #tpu.memory_space<vmem_shared>> -> memref<128x128xf32, #tpu.memory_space<vmem_shared>>
      tpu.wait_dma2 semaphore(%run_scoped3A : memref<!tpu.dma_semaphore, #tpu.memory_space<semaphore_mem>>) src(%dma_wait3A_120 : memref<128x128xf32, #tpu.memory_space<vmem_shared>>) dst(%dma_wait3A_118 : memref<128x128xf32, #tpu.memory_space<vmem>>)
      tpu.yield
    }) : () -> ()
    "tpu.region"() ({
      %run_scoped3A = tpu.sem_alloc : memref<!tpu.dma_semaphore, #tpu.memory_space<semaphore_mem>>
      %dma_start3A = arith.constant 0 : i32
      %dma_start3A_103 = arith.constant 0 : i32
      %dma_start3A_104 = tpu.memref_slice %arg9[%dma_start3A, %dma_start3A_103] : memref<128x128xf32, #tpu.memory_space<vmem>> -> memref<128x128xf32, #tpu.memory_space<vmem>>
      %dma_start3A_105 = arith.constant 0 : i32
      %dma_start3A_106 = tpu.memref_slice %arg5[%arg0, %add3A_93, %dma_start3A_105] : memref<2x10112x128xf32, #tpu.memory_space<hbm>> -> memref<1x128x128xf32, #tpu.memory_space<hbm>>
      %dma_start3A_107 = tpu.memref_squeeze %dma_start3A_106 : memref<1x128x128xf32, #tpu.memory_space<hbm>> -> memref<128x128xf32, #tpu.memory_space<hbm>>
      %dma_start3A_108 = arith.constant 0 : i32
      %dma_start3A_109 = tpu.memref_slice %arg5[%arg0, %add3A_93, %dma_start3A_108] : memref<2x10112x128xf32, #tpu.memory_space<hbm>> -> memref<1x128x128xf32, #tpu.memory_space<hbm>>
      %dma_start3A_110 = tpu.memref_squeeze %dma_start3A_109 : memref<1x128x128xf32, #tpu.memory_space<hbm>> -> memref<128x128xf32, #tpu.memory_space<hbm>>
      %dma_start3A_111 = arith.constant 0 : i32
      %dma_start3A_112 = arith.constant 0 : i32
      %dma_start3A_113 = tpu.memref_slice %arg9[%dma_start3A_111, %dma_start3A_112] : memref<128x128xf32, #tpu.memory_space<vmem>> -> memref<128x128xf32, #tpu.memory_space<vmem>>
      tpu.enqueue_dma source(%dma_start3A_113 : memref<128x128xf32, #tpu.memory_space<vmem>>) target(%dma_start3A_110 : memref<128x128xf32, #tpu.memory_space<hbm>>) target_semaphore(%run_scoped3A : memref<!tpu.dma_semaphore, #tpu.memory_space<semaphore_mem>>)
      %dma_wait3A = arith.constant 0 : i32
      %dma_wait3A_114 = arith.constant 0 : i32
      %dma_wait3A_115 = tpu.memref_slice %arg9[%dma_wait3A, %dma_wait3A_114] : memref<128x128xf32, #tpu.memory_space<vmem>> -> memref<128x128xf32, #tpu.memory_space<vmem>>
      %dma_wait3A_116 = arith.constant 0 : i32
      %dma_wait3A_117 = tpu.memref_slice %arg5[%arg0, %add3A_93, %dma_wait3A_116] : memref<2x10112x128xf32, #tpu.memory_space<hbm>> -> memref<1x128x128xf32, #tpu.memory_space<hbm>>
      %dma_wait3A_118 = tpu.memref_squeeze %dma_wait3A_117 : memref<1x128x128xf32, #tpu.memory_space<hbm>> -> memref<128x128xf32, #tpu.memory_space<hbm>>
      %dma_wait3A_119 = arith.constant 0 : i32
      %dma_wait3A_120 = tpu.memref_slice %arg5[%arg0, %add3A_93, %dma_wait3A_119] : memref<2x10112x128xf32, #tpu.memory_space<hbm>> -> memref<1x128x128xf32, #tpu.memory_space<hbm>>
      %dma_wait3A_121 = tpu.memref_squeeze %dma_wait3A_120 : memref<1x128x128xf32, #tpu.memory_space<hbm>> -> memref<128x128xf32, #tpu.memory_space<hbm>>
      %dma_wait3A_122 = arith.constant 0 : i32
      %dma_wait3A_123 = arith.constant 0 : i32
      %dma_wait3A_124 = tpu.memref_slice %arg9[%dma_wait3A_122, %dma_wait3A_123] : memref<128x128xf32, #tpu.memory_space<vmem>> -> memref<128x128xf32, #tpu.memory_space<vmem>>
      tpu.wait_dma2 semaphore(%run_scoped3A : memref<!tpu.dma_semaphore, #tpu.memory_space<semaphore_mem>>) src(%dma_wait3A_124 : memref<128x128xf32, #tpu.memory_space<vmem>>) dst(%dma_wait3A_121 : memref<128x128xf32, #tpu.memory_space<hbm>>)
      tpu.yield
    }) : () -> ()
    %add3A_94 = arith.constant 256 : i32
    %add3A_95 = arith.addi %mul3A_2, %add3A_94 : i32
    "tpu.region"() ({
      %run_scoped3A = tpu.sem_alloc : memref<!tpu.dma_semaphore, #tpu.memory_space<semaphore_mem>>
      %dma_start3A = arith.constant 0 : i32
      %dma_start3A_103 = arith.constant 0 : i32
      %dma_start3A_104 = tpu.memref_slice %arg9[%dma_start3A, %dma_start3A_103] : memref<128x128xf32, #tpu.memory_space<vmem>> -> memref<128x128xf32, #tpu.memory_space<vmem>>
      %dma_start3A_105 = arith.constant 0 : i32
      %dma_start3A_106 = tpu.memref_slice %arg12[%add3A_95, %dma_start3A_105] : memref<10112x128xf32, #tpu.memory_space<vmem_shared>> -> memref<128x128xf32, #tpu.memory_space<vmem_shared>>
      %dma_start3A_107 = arith.constant 0 : i32
      %dma_start3A_108 = arith.constant 0 : i32
      %dma_start3A_109 = tpu.memref_slice %arg9[%dma_start3A_107, %dma_start3A_108] : memref<128x128xf32, #tpu.memory_space<vmem>> -> memref<128x128xf32, #tpu.memory_space<vmem>>
      %dma_start3A_110 = arith.constant 0 : i32
      %dma_start3A_111 = tpu.memref_slice %arg12[%add3A_95, %dma_start3A_110] : memref<10112x128xf32, #tpu.memory_space<vmem_shared>> -> memref<128x128xf32, #tpu.memory_space<vmem_shared>>
      tpu.enqueue_dma source(%dma_start3A_111 : memref<128x128xf32, #tpu.memory_space<vmem_shared>>) target(%dma_start3A_109 : memref<128x128xf32, #tpu.memory_space<vmem>>) target_semaphore(%run_scoped3A : memref<!tpu.dma_semaphore, #tpu.memory_space<semaphore_mem>>)
      %dma_wait3A = arith.constant 0 : i32
      %dma_wait3A_112 = arith.constant 0 : i32
      %dma_wait3A_113 = tpu.memref_slice %arg9[%dma_wait3A, %dma_wait3A_112] : memref<128x128xf32, #tpu.memory_space<vmem>> -> memref<128x128xf32, #tpu.memory_space<vmem>>
      %dma_wait3A_114 = arith.constant 0 : i32
      %dma_wait3A_115 = tpu.memref_slice %arg12[%add3A_95, %dma_wait3A_114] : memref<10112x128xf32, #tpu.memory_space<vmem_shared>> -> memref<128x128xf32, #tpu.memory_space<vmem_shared>>
      %dma_wait3A_116 = arith.constant 0 : i32
      %dma_wait3A_117 = arith.constant 0 : i32
      %dma_wait3A_118 = tpu.memref_slice %arg9[%dma_wait3A_116, %dma_wait3A_117] : memref<128x128xf32, #tpu.memory_space<vmem>> -> memref<128x128xf32, #tpu.memory_space<vmem>>
      %dma_wait3A_119 = arith.constant 0 : i32
      %dma_wait3A_120 = tpu.memref_slice %arg12[%add3A_95, %dma_wait3A_119] : memref<10112x128xf32, #tpu.memory_space<vmem_shared>> -> memref<128x128xf32, #tpu.memory_space<vmem_shared>>
      tpu.wait_dma2 semaphore(%run_scoped3A : memref<!tpu.dma_semaphore, #tpu.memory_space<semaphore_mem>>) src(%dma_wait3A_120 : memref<128x128xf32, #tpu.memory_space<vmem_shared>>) dst(%dma_wait3A_118 : memref<128x128xf32, #tpu.memory_space<vmem>>)
      tpu.yield
    }) : () -> ()
    "tpu.region"() ({
      %run_scoped3A = tpu.sem_alloc : memref<!tpu.dma_semaphore, #tpu.memory_space<semaphore_mem>>
      %dma_start3A = arith.constant 0 : i32
      %dma_start3A_103 = arith.constant 0 : i32
      %dma_start3A_104 = tpu.memref_slice %arg9[%dma_start3A, %dma_start3A_103] : memref<128x128xf32, #tpu.memory_space<vmem>> -> memref<128x128xf32, #tpu.memory_space<vmem>>
      %dma_start3A_105 = arith.constant 0 : i32
      %dma_start3A_106 = tpu.memref_slice %arg5[%arg0, %add3A_95, %dma_start3A_105] : memref<2x10112x128xf32, #tpu.memory_space<hbm>> -> memref<1x128x128xf32, #tpu.memory_space<hbm>>
      %dma_start3A_107 = tpu.memref_squeeze %dma_start3A_106 : memref<1x128x128xf32, #tpu.memory_space<hbm>> -> memref<128x128xf32, #tpu.memory_space<hbm>>
      %dma_start3A_108 = arith.constant 0 : i32
      %dma_start3A_109 = tpu.memref_slice %arg5[%arg0, %add3A_95, %dma_start3A_108] : memref<2x10112x128xf32, #tpu.memory_space<hbm>> -> memref<1x128x128xf32, #tpu.memory_space<hbm>>
      %dma_start3A_110 = tpu.memref_squeeze %dma_start3A_109 : memref<1x128x128xf32, #tpu.memory_space<hbm>> -> memref<128x128xf32, #tpu.memory_space<hbm>>
      %dma_start3A_111 = arith.constant 0 : i32
      %dma_start3A_112 = arith.constant 0 : i32
      %dma_start3A_113 = tpu.memref_slice %arg9[%dma_start3A_111, %dma_start3A_112] : memref<128x128xf32, #tpu.memory_space<vmem>> -> memref<128x128xf32, #tpu.memory_space<vmem>>
      tpu.enqueue_dma source(%dma_start3A_113 : memref<128x128xf32, #tpu.memory_space<vmem>>) target(%dma_start3A_110 : memref<128x128xf32, #tpu.memory_space<hbm>>) target_semaphore(%run_scoped3A : memref<!tpu.dma_semaphore, #tpu.memory_space<semaphore_mem>>)
      %dma_wait3A = arith.constant 0 : i32
      %dma_wait3A_114 = arith.constant 0 : i32
      %dma_wait3A_115 = tpu.memref_slice %arg9[%dma_wait3A, %dma_wait3A_114] : memref<128x128xf32, #tpu.memory_space<vmem>> -> memref<128x128xf32, #tpu.memory_space<vmem>>
      %dma_wait3A_116 = arith.constant 0 : i32
      %dma_wait3A_117 = tpu.memref_slice %arg5[%arg0, %add3A_95, %dma_wait3A_116] : memref<2x10112x128xf32, #tpu.memory_space<hbm>> -> memref<1x128x128xf32, #tpu.memory_space<hbm>>
      %dma_wait3A_118 = tpu.memref_squeeze %dma_wait3A_117 : memref<1x128x128xf32, #tpu.memory_space<hbm>> -> memref<128x128xf32, #tpu.memory_space<hbm>>
      %dma_wait3A_119 = arith.constant 0 : i32
      %dma_wait3A_120 = tpu.memref_slice %arg5[%arg0, %add3A_95, %dma_wait3A_119] : memref<2x10112x128xf32, #tpu.memory_space<hbm>> -> memref<1x128x128xf32, #tpu.memory_space<hbm>>
      %dma_wait3A_121 = tpu.memref_squeeze %dma_wait3A_120 : memref<1x128x128xf32, #tpu.memory_space<hbm>> -> memref<128x128xf32, #tpu.memory_space<hbm>>
      %dma_wait3A_122 = arith.constant 0 : i32
      %dma_wait3A_123 = arith.constant 0 : i32
      %dma_wait3A_124 = tpu.memref_slice %arg9[%dma_wait3A_122, %dma_wait3A_123] : memref<128x128xf32, #tpu.memory_space<vmem>> -> memref<128x128xf32, #tpu.memory_space<vmem>>
      tpu.wait_dma2 semaphore(%run_scoped3A : memref<!tpu.dma_semaphore, #tpu.memory_space<semaphore_mem>>) src(%dma_wait3A_124 : memref<128x128xf32, #tpu.memory_space<vmem>>) dst(%dma_wait3A_121 : memref<128x128xf32, #tpu.memory_space<hbm>>)
      tpu.yield
    }) : () -> ()
    %add3A_96 = arith.constant 384 : i32
    %add3A_97 = arith.addi %mul3A_2, %add3A_96 : i32
    "tpu.region"() ({
      %run_scoped3A = tpu.sem_alloc : memref<!tpu.dma_semaphore, #tpu.memory_space<semaphore_mem>>
      %dma_start3A = arith.constant 0 : i32
      %dma_start3A_103 = arith.constant 0 : i32
      %dma_start3A_104 = tpu.memref_slice %arg9[%dma_start3A, %dma_start3A_103] : memref<128x128xf32, #tpu.memory_space<vmem>> -> memref<128x128xf32, #tpu.memory_space<vmem>>
      %dma_start3A_105 = arith.constant 0 : i32
      %dma_start3A_106 = tpu.memref_slice %arg12[%add3A_97, %dma_start3A_105] : memref<10112x128xf32, #tpu.memory_space<vmem_shared>> -> memref<128x128xf32, #tpu.memory_space<vmem_shared>>
      %dma_start3A_107 = arith.constant 0 : i32
      %dma_start3A_108 = arith.constant 0 : i32
      %dma_start3A_109 = tpu.memref_slice %arg9[%dma_start3A_107, %dma_start3A_108] : memref<128x128xf32, #tpu.memory_space<vmem>> -> memref<128x128xf32, #tpu.memory_space<vmem>>
      %dma_start3A_110 = arith.constant 0 : i32
      %dma_start3A_111 = tpu.memref_slice %arg12[%add3A_97, %dma_start3A_110] : memref<10112x128xf32, #tpu.memory_space<vmem_shared>> -> memref<128x128xf32, #tpu.memory_space<vmem_shared>>
      tpu.enqueue_dma source(%dma_start3A_111 : memref<128x128xf32, #tpu.memory_space<vmem_shared>>) target(%dma_start3A_109 : memref<128x128xf32, #tpu.memory_space<vmem>>) target_semaphore(%run_scoped3A : memref<!tpu.dma_semaphore, #tpu.memory_space<semaphore_mem>>)
      %dma_wait3A = arith.constant 0 : i32
      %dma_wait3A_112 = arith.constant 0 : i32
      %dma_wait3A_113 = tpu.memref_slice %arg9[%dma_wait3A, %dma_wait3A_112] : memref<128x128xf32, #tpu.memory_space<vmem>> -> memref<128x128xf32, #tpu.memory_space<vmem>>
      %dma_wait3A_114 = arith.constant 0 : i32
      %dma_wait3A_115 = tpu.memref_slice %arg12[%add3A_97, %dma_wait3A_114] : memref<10112x128xf32, #tpu.memory_space<vmem_shared>> -> memref<128x128xf32, #tpu.memory_space<vmem_shared>>
      %dma_wait3A_116 = arith.constant 0 : i32
      %dma_wait3A_117 = arith.constant 0 : i32
      %dma_wait3A_118 = tpu.memref_slice %arg9[%dma_wait3A_116, %dma_wait3A_117] : memref<128x128xf32, #tpu.memory_space<vmem>> -> memref<128x128xf32, #tpu.memory_space<vmem>>
      %dma_wait3A_119 = arith.constant 0 : i32
      %dma_wait3A_120 = tpu.memref_slice %arg12[%add3A_97, %dma_wait3A_119] : memref<10112x128xf32, #tpu.memory_space<vmem_shared>> -> memref<128x128xf32, #tpu.memory_space<vmem_shared>>
      tpu.wait_dma2 semaphore(%run_scoped3A : memref<!tpu.dma_semaphore, #tpu.memory_space<semaphore_mem>>) src(%dma_wait3A_120 : memref<128x128xf32, #tpu.memory_space<vmem_shared>>) dst(%dma_wait3A_118 : memref<128x128xf32, #tpu.memory_space<vmem>>)
      tpu.yield
    }) : () -> ()
    "tpu.region"() ({
      %run_scoped3A = tpu.sem_alloc : memref<!tpu.dma_semaphore, #tpu.memory_space<semaphore_mem>>
      %dma_start3A = arith.constant 0 : i32
      %dma_start3A_103 = arith.constant 0 : i32
      %dma_start3A_104 = tpu.memref_slice %arg9[%dma_start3A, %dma_start3A_103] : memref<128x128xf32, #tpu.memory_space<vmem>> -> memref<128x128xf32, #tpu.memory_space<vmem>>
      %dma_start3A_105 = arith.constant 0 : i32
      %dma_start3A_106 = tpu.memref_slice %arg5[%arg0, %add3A_97, %dma_start3A_105] : memref<2x10112x128xf32, #tpu.memory_space<hbm>> -> memref<1x128x128xf32, #tpu.memory_space<hbm>>
      %dma_start3A_107 = tpu.memref_squeeze %dma_start3A_106 : memref<1x128x128xf32, #tpu.memory_space<hbm>> -> memref<128x128xf32, #tpu.memory_space<hbm>>
      %dma_start3A_108 = arith.constant 0 : i32
      %dma_start3A_109 = tpu.memref_slice %arg5[%arg0, %add3A_97, %dma_start3A_108] : memref<2x10112x128xf32, #tpu.memory_space<hbm>> -> memref<1x128x128xf32, #tpu.memory_space<hbm>>
      %dma_start3A_110 = tpu.memref_squeeze %dma_start3A_109 : memref<1x128x128xf32, #tpu.memory_space<hbm>> -> memref<128x128xf32, #tpu.memory_space<hbm>>
      %dma_start3A_111 = arith.constant 0 : i32
      %dma_start3A_112 = arith.constant 0 : i32
      %dma_start3A_113 = tpu.memref_slice %arg9[%dma_start3A_111, %dma_start3A_112] : memref<128x128xf32, #tpu.memory_space<vmem>> -> memref<128x128xf32, #tpu.memory_space<vmem>>
      tpu.enqueue_dma source(%dma_start3A_113 : memref<128x128xf32, #tpu.memory_space<vmem>>) target(%dma_start3A_110 : memref<128x128xf32, #tpu.memory_space<hbm>>) target_semaphore(%run_scoped3A : memref<!tpu.dma_semaphore, #tpu.memory_space<semaphore_mem>>)
      %dma_wait3A = arith.constant 0 : i32
      %dma_wait3A_114 = arith.constant 0 : i32
      %dma_wait3A_115 = tpu.memref_slice %arg9[%dma_wait3A, %dma_wait3A_114] : memref<128x128xf32, #tpu.memory_space<vmem>> -> memref<128x128xf32, #tpu.memory_space<vmem>>
      %dma_wait3A_116 = arith.constant 0 : i32
      %dma_wait3A_117 = tpu.memref_slice %arg5[%arg0, %add3A_97, %dma_wait3A_116] : memref<2x10112x128xf32, #tpu.memory_space<hbm>> -> memref<1x128x128xf32, #tpu.memory_space<hbm>>
      %dma_wait3A_118 = tpu.memref_squeeze %dma_wait3A_117 : memref<1x128x128xf32, #tpu.memory_space<hbm>> -> memref<128x128xf32, #tpu.memory_space<hbm>>
      %dma_wait3A_119 = arith.constant 0 : i32
      %dma_wait3A_120 = tpu.memref_slice %arg5[%arg0, %add3A_97, %dma_wait3A_119] : memref<2x10112x128xf32, #tpu.memory_space<hbm>> -> memref<1x128x128xf32, #tpu.memory_space<hbm>>
      %dma_wait3A_121 = tpu.memref_squeeze %dma_wait3A_120 : memref<1x128x128xf32, #tpu.memory_space<hbm>> -> memref<128x128xf32, #tpu.memory_space<hbm>>
      %dma_wait3A_122 = arith.constant 0 : i32
      %dma_wait3A_123 = arith.constant 0 : i32
      %dma_wait3A_124 = tpu.memref_slice %arg9[%dma_wait3A_122, %dma_wait3A_123] : memref<128x128xf32, #tpu.memory_space<vmem>> -> memref<128x128xf32, #tpu.memory_space<vmem>>
      tpu.wait_dma2 semaphore(%run_scoped3A : memref<!tpu.dma_semaphore, #tpu.memory_space<semaphore_mem>>) src(%dma_wait3A_124 : memref<128x128xf32, #tpu.memory_space<vmem>>) dst(%dma_wait3A_121 : memref<128x128xf32, #tpu.memory_space<hbm>>)
      tpu.yield
    }) : () -> ()
    %add3A_98 = arith.constant 512 : i32
    %add3A_99 = arith.addi %mul3A_2, %add3A_98 : i32
    "tpu.region"() ({
      %run_scoped3A = tpu.sem_alloc : memref<!tpu.dma_semaphore, #tpu.memory_space<semaphore_mem>>
      %dma_start3A = arith.constant 0 : i32
      %dma_start3A_103 = arith.constant 0 : i32
      %dma_start3A_104 = tpu.memref_slice %arg9[%dma_start3A, %dma_start3A_103] : memref<128x128xf32, #tpu.memory_space<vmem>> -> memref<120x128xf32, #tpu.memory_space<vmem>>
      %dma_start3A_105 = arith.constant 0 : i32
      %dma_start3A_106 = tpu.memref_slice %arg12[%add3A_99, %dma_start3A_105] : memref<10112x128xf32, #tpu.memory_space<vmem_shared>> -> memref<120x128xf32, #tpu.memory_space<vmem_shared>>
      %dma_start3A_107 = arith.constant 0 : i32
      %dma_start3A_108 = arith.constant 0 : i32
      %dma_start3A_109 = tpu.memref_slice %arg9[%dma_start3A_107, %dma_start3A_108] : memref<128x128xf32, #tpu.memory_space<vmem>> -> memref<120x128xf32, #tpu.memory_space<vmem>>
      %dma_start3A_110 = arith.constant 0 : i32
      %dma_start3A_111 = tpu.memref_slice %arg12[%add3A_99, %dma_start3A_110] : memref<10112x128xf32, #tpu.memory_space<vmem_shared>> -> memref<120x128xf32, #tpu.memory_space<vmem_shared>>
      tpu.enqueue_dma source(%dma_start3A_111 : memref<120x128xf32, #tpu.memory_space<vmem_shared>>) target(%dma_start3A_109 : memref<120x128xf32, #tpu.memory_space<vmem>>) target_semaphore(%run_scoped3A : memref<!tpu.dma_semaphore, #tpu.memory_space<semaphore_mem>>)
      %dma_wait3A = arith.constant 0 : i32
      %dma_wait3A_112 = arith.constant 0 : i32
      %dma_wait3A_113 = tpu.memref_slice %arg9[%dma_wait3A, %dma_wait3A_112] : memref<128x128xf32, #tpu.memory_space<vmem>> -> memref<120x128xf32, #tpu.memory_space<vmem>>
      %dma_wait3A_114 = arith.constant 0 : i32
      %dma_wait3A_115 = tpu.memref_slice %arg12[%add3A_99, %dma_wait3A_114] : memref<10112x128xf32, #tpu.memory_space<vmem_shared>> -> memref<120x128xf32, #tpu.memory_space<vmem_shared>>
      %dma_wait3A_116 = arith.constant 0 : i32
      %dma_wait3A_117 = arith.constant 0 : i32
      %dma_wait3A_118 = tpu.memref_slice %arg9[%dma_wait3A_116, %dma_wait3A_117] : memref<128x128xf32, #tpu.memory_space<vmem>> -> memref<120x128xf32, #tpu.memory_space<vmem>>
      %dma_wait3A_119 = arith.constant 0 : i32
      %dma_wait3A_120 = tpu.memref_slice %arg12[%add3A_99, %dma_wait3A_119] : memref<10112x128xf32, #tpu.memory_space<vmem_shared>> -> memref<120x128xf32, #tpu.memory_space<vmem_shared>>
      tpu.wait_dma2 semaphore(%run_scoped3A : memref<!tpu.dma_semaphore, #tpu.memory_space<semaphore_mem>>) src(%dma_wait3A_120 : memref<120x128xf32, #tpu.memory_space<vmem_shared>>) dst(%dma_wait3A_118 : memref<120x128xf32, #tpu.memory_space<vmem>>)
      tpu.yield
    }) : () -> ()
    "tpu.region"() ({
      %run_scoped3A = tpu.sem_alloc : memref<!tpu.dma_semaphore, #tpu.memory_space<semaphore_mem>>
      %dma_start3A = arith.constant 0 : i32
      %dma_start3A_103 = arith.constant 0 : i32
      %dma_start3A_104 = tpu.memref_slice %arg9[%dma_start3A, %dma_start3A_103] : memref<128x128xf32, #tpu.memory_space<vmem>> -> memref<120x128xf32, #tpu.memory_space<vmem>>
      %dma_start3A_105 = arith.constant 0 : i32
      %dma_start3A_106 = tpu.memref_slice %arg5[%arg0, %add3A_99, %dma_start3A_105] : memref<2x10112x128xf32, #tpu.memory_space<hbm>> -> memref<1x120x128xf32, #tpu.memory_space<hbm>>
      %dma_start3A_107 = tpu.memref_squeeze %dma_start3A_106 : memref<1x120x128xf32, #tpu.memory_space<hbm>> -> memref<120x128xf32, #tpu.memory_space<hbm>>
      %dma_start3A_108 = arith.constant 0 : i32
      %dma_start3A_109 = tpu.memref_slice %arg5[%arg0, %add3A_99, %dma_start3A_108] : memref<2x10112x128xf32, #tpu.memory_space<hbm>> -> memref<1x120x128xf32, #tpu.memory_space<hbm>>
      %dma_start3A_110 = tpu.memref_squeeze %dma_start3A_109 : memref<1x120x128xf32, #tpu.memory_space<hbm>> -> memref<120x128xf32, #tpu.memory_space<hbm>>
      %dma_start3A_111 = arith.constant 0 : i32
      %dma_start3A_112 = arith.constant 0 : i32
      %dma_start3A_113 = tpu.memref_slice %arg9[%dma_start3A_111, %dma_start3A_112] : memref<128x128xf32, #tpu.memory_space<vmem>> -> memref<120x128xf32, #tpu.memory_space<vmem>>
      tpu.enqueue_dma source(%dma_start3A_113 : memref<120x128xf32, #tpu.memory_space<vmem>>) target(%dma_start3A_110 : memref<120x128xf32, #tpu.memory_space<hbm>>) target_semaphore(%run_scoped3A : memref<!tpu.dma_semaphore, #tpu.memory_space<semaphore_mem>>)
      %dma_wait3A = arith.constant 0 : i32
      %dma_wait3A_114 = arith.constant 0 : i32
      %dma_wait3A_115 = tpu.memref_slice %arg9[%dma_wait3A, %dma_wait3A_114] : memref<128x128xf32, #tpu.memory_space<vmem>> -> memref<120x128xf32, #tpu.memory_space<vmem>>
      %dma_wait3A_116 = arith.constant 0 : i32
      %dma_wait3A_117 = tpu.memref_slice %arg5[%arg0, %add3A_99, %dma_wait3A_116] : memref<2x10112x128xf32, #tpu.memory_space<hbm>> -> memref<1x120x128xf32, #tpu.memory_space<hbm>>
      %dma_wait3A_118 = tpu.memref_squeeze %dma_wait3A_117 : memref<1x120x128xf32, #tpu.memory_space<hbm>> -> memref<120x128xf32, #tpu.memory_space<hbm>>
      %dma_wait3A_119 = arith.constant 0 : i32
      %dma_wait3A_120 = tpu.memref_slice %arg5[%arg0, %add3A_99, %dma_wait3A_119] : memref<2x10112x128xf32, #tpu.memory_space<hbm>> -> memref<1x120x128xf32, #tpu.memory_space<hbm>>
      %dma_wait3A_121 = tpu.memref_squeeze %dma_wait3A_120 : memref<1x120x128xf32, #tpu.memory_space<hbm>> -> memref<120x128xf32, #tpu.memory_space<hbm>>
      %dma_wait3A_122 = arith.constant 0 : i32
      %dma_wait3A_123 = arith.constant 0 : i32
      %dma_wait3A_124 = tpu.memref_slice %arg9[%dma_wait3A_122, %dma_wait3A_123] : memref<128x128xf32, #tpu.memory_space<vmem>> -> memref<120x128xf32, #tpu.memory_space<vmem>>
      tpu.wait_dma2 semaphore(%run_scoped3A : memref<!tpu.dma_semaphore, #tpu.memory_space<semaphore_mem>>) src(%dma_wait3A_124 : memref<120x128xf32, #tpu.memory_space<vmem>>) dst(%dma_wait3A_121 : memref<120x128xf32, #tpu.memory_space<hbm>>)
      tpu.yield
    }) : () -> ()
    "tpu.region"() ({
      %run_scoped3A = tpu.sem_alloc : memref<!tpu.dma_semaphore, #tpu.memory_space<semaphore_mem>>
      %dma_start3A = arith.constant 0 : i32
      %dma_start3A_103 = tpu.memref_slice %arg11[%dma_start3A] : memref<640xf32, #tpu.memory_space<vmem>> -> memref<632xf32, #tpu.memory_space<vmem>>
      %dma_start3A_104 = tpu.memref_slice %arg13[%mul3A_2] : memref<10112xf32, #tpu.memory_space<vmem_shared>> -> memref<632xf32, #tpu.memory_space<vmem_shared>>
      %dma_start3A_105 = arith.constant 0 : i32
      %dma_start3A_106 = tpu.memref_slice %arg11[%dma_start3A_105] : memref<640xf32, #tpu.memory_space<vmem>> -> memref<632xf32, #tpu.memory_space<vmem>>
      %dma_start3A_107 = tpu.memref_slice %arg13[%mul3A_2] : memref<10112xf32, #tpu.memory_space<vmem_shared>> -> memref<632xf32, #tpu.memory_space<vmem_shared>>
      tpu.enqueue_dma source(%dma_start3A_107 : memref<632xf32, #tpu.memory_space<vmem_shared>>) target(%dma_start3A_106 : memref<632xf32, #tpu.memory_space<vmem>>) target_semaphore(%run_scoped3A : memref<!tpu.dma_semaphore, #tpu.memory_space<semaphore_mem>>)
      %dma_wait3A = arith.constant 0 : i32
      %dma_wait3A_108 = tpu.memref_slice %arg11[%dma_wait3A] : memref<640xf32, #tpu.memory_space<vmem>> -> memref<632xf32, #tpu.memory_space<vmem>>
      %dma_wait3A_109 = tpu.memref_slice %arg13[%mul3A_2] : memref<10112xf32, #tpu.memory_space<vmem_shared>> -> memref<632xf32, #tpu.memory_space<vmem_shared>>
      %dma_wait3A_110 = arith.constant 0 : i32
      %dma_wait3A_111 = tpu.memref_slice %arg11[%dma_wait3A_110] : memref<640xf32, #tpu.memory_space<vmem>> -> memref<632xf32, #tpu.memory_space<vmem>>
      %dma_wait3A_112 = tpu.memref_slice %arg13[%mul3A_2] : memref<10112xf32, #tpu.memory_space<vmem_shared>> -> memref<632xf32, #tpu.memory_space<vmem_shared>>
      tpu.wait_dma2 semaphore(%run_scoped3A : memref<!tpu.dma_semaphore, #tpu.memory_space<semaphore_mem>>) src(%dma_wait3A_112 : memref<632xf32, #tpu.memory_space<vmem_shared>>) dst(%dma_wait3A_111 : memref<632xf32, #tpu.memory_space<vmem>>)
      tpu.yield
    }) : () -> ()
    %mul3A_100 = arith.constant 10112 : i32
    %mul3A_101 = arith.muli %arg0, %mul3A_100 : i32
    %add3A_102 = arith.addi %mul3A_101, %mul3A_2 : i32
    "tpu.region"() ({
      %run_scoped3A = tpu.sem_alloc : memref<!tpu.dma_semaphore, #tpu.memory_space<semaphore_mem>>
      %dma_start3A = arith.constant 0 : i32
      %dma_start3A_103 = tpu.memref_slice %arg11[%dma_start3A] : memref<640xf32, #tpu.memory_space<vmem>> -> memref<632xf32, #tpu.memory_space<vmem>>
      %dma_start3A_104 = tpu.memref_slice %arg6[%add3A_102] : memref<20224xf32, #tpu.memory_space<hbm>> -> memref<632xf32, #tpu.memory_space<hbm>>
      %dma_start3A_105 = tpu.memref_slice %arg6[%add3A_102] : memref<20224xf32, #tpu.memory_space<hbm>> -> memref<632xf32, #tpu.memory_space<hbm>>
      %dma_start3A_106 = arith.constant 0 : i32
      %dma_start3A_107 = tpu.memref_slice %arg11[%dma_start3A_106] : memref<640xf32, #tpu.memory_space<vmem>> -> memref<632xf32, #tpu.memory_space<vmem>>
      tpu.enqueue_dma source(%dma_start3A_107 : memref<632xf32, #tpu.memory_space<vmem>>) target(%dma_start3A_105 : memref<632xf32, #tpu.memory_space<hbm>>) target_semaphore(%run_scoped3A : memref<!tpu.dma_semaphore, #tpu.memory_space<semaphore_mem>>)
      %dma_wait3A = arith.constant 0 : i32
      %dma_wait3A_108 = tpu.memref_slice %arg11[%dma_wait3A] : memref<640xf32, #tpu.memory_space<vmem>> -> memref<632xf32, #tpu.memory_space<vmem>>
      %dma_wait3A_109 = tpu.memref_slice %arg6[%add3A_102] : memref<20224xf32, #tpu.memory_space<hbm>> -> memref<632xf32, #tpu.memory_space<hbm>>
      %dma_wait3A_110 = tpu.memref_slice %arg6[%add3A_102] : memref<20224xf32, #tpu.memory_space<hbm>> -> memref<632xf32, #tpu.memory_space<hbm>>
      %dma_wait3A_111 = arith.constant 0 : i32
      %dma_wait3A_112 = tpu.memref_slice %arg11[%dma_wait3A_111] : memref<640xf32, #tpu.memory_space<vmem>> -> memref<632xf32, #tpu.memory_space<vmem>>
      tpu.wait_dma2 semaphore(%run_scoped3A : memref<!tpu.dma_semaphore, #tpu.memory_space<semaphore_mem>>) src(%dma_wait3A_112 : memref<632xf32, #tpu.memory_space<vmem>>) dst(%dma_wait3A_110 : memref<632xf32, #tpu.memory_space<hbm>>)
      tpu.yield
    }) : () -> ()
    return
  }
}

module attributes {stable_mosaic.version = 14 : i64} {
  func.func @_tc_combine_body(%arg0: i32, %arg1: memref<1024x128xf32, #tpu.memory_space<vmem>>, %arg2: memref<2x1024x128xf32, #tpu.memory_space<vmem>>, %arg3: memref<2x1024x1xf32, #tpu.memory_space<vmem>>, %arg4: memref<128x256xf32, #tpu.memory_space<vmem>>, %arg5: memref<1x128xf32, #tpu.memory_space<vmem>>, %arg6: memref<1024x128xf32, #tpu.memory_space<vmem>>) attributes {dimension_semantics = [#tpu.dimension_semantics<arbitrary>], iteration_bounds = array<i64: 10>, scalar_prefetch = 0 : i64, scratch_operands = 0 : i64, tpu.core_type = #tpu.core_type<tc>, window_params = [{transform_indices = @transform_0, window_bounds = array<i64: 1024, 128>}, {transform_indices = @transform_1, window_bounds = array<i64: 2, 1024, 128>}, {transform_indices = @transform_2, window_bounds = array<i64: 2, 1024, 1>}, {pipeline_mode = #tpu.pipeline_mode<synchronous>, transform_indices = @transform_3, window_bounds = array<i64: 128, 256>}, {pipeline_mode = #tpu.pipeline_mode<synchronous>, transform_indices = @transform_4, window_bounds = array<i64: 1, 128>}, {transform_indices = @transform_5, window_bounds = array<i64: 1024, 128>}]} {
    %get3A = arith.constant 0 : index
    %get3A_0 = arith.constant 0 : index
    %get3A_1 = vector.load %arg1[%get3A, %get3A_0] : memref<1024x128xf32, #tpu.memory_space<vmem>>, vector<1024x128xf32>
    %get3A_2 = arith.constant 0 : index
    %get3A_3 = arith.constant 0 : index
    %get3A_4 = arith.constant 0 : index
    %get3A_5 = vector.load %arg2[%get3A_2, %get3A_3, %get3A_4] : memref<2x1024x128xf32, #tpu.memory_space<vmem>>, vector<1x1024x128xf32>
    %get3A_6 = vector.shape_cast %get3A_5 : vector<1x1024x128xf32> to vector<1024x128xf32>
    %get3A_7 = arith.constant 1 : index
    %get3A_8 = arith.constant 0 : index
    %get3A_9 = arith.constant 0 : index
    %get3A_10 = vector.load %arg2[%get3A_7, %get3A_8, %get3A_9] : memref<2x1024x128xf32, #tpu.memory_space<vmem>>, vector<1x1024x128xf32>
    %get3A_11 = vector.shape_cast %get3A_10 : vector<1x1024x128xf32> to vector<1024x128xf32>
    %add3A = arith.addf %get3A_6, %get3A_11 : vector<1024x128xf32>
    %get3A_12 = arith.constant 0 : index
    %get3A_13 = arith.constant 0 : index
    %get3A_14 = arith.constant 0 : index
    %get3A_15 = vector.load %arg3[%get3A_12, %get3A_13, %get3A_14] : memref<2x1024x1xf32, #tpu.memory_space<vmem>>, vector<1x1024x1xf32>
    %get3A_16 = vector.shape_cast %get3A_15 : vector<1x1024x1xf32> to vector<1024x1xf32>
    %get3A_17 = arith.constant 1 : index
    %get3A_18 = arith.constant 0 : index
    %get3A_19 = arith.constant 0 : index
    %get3A_20 = vector.load %arg3[%get3A_17, %get3A_18, %get3A_19] : memref<2x1024x1xf32, #tpu.memory_space<vmem>>, vector<1x1024x1xf32>
    %get3A_21 = vector.shape_cast %get3A_20 : vector<1x1024x1xf32> to vector<1024x1xf32>
    %add3A_22 = arith.addf %get3A_16, %get3A_21 : vector<1024x1xf32>
    %get3A_23 = arith.constant 0 : index
    %get3A_24 = arith.constant 0 : index
    %get3A_25 = vector.load %arg4[%get3A_23, %get3A_24] : memref<128x256xf32, #tpu.memory_space<vmem>>, vector<128x256xf32>
    %slice3A = vector.extract_strided_slice %get3A_25 {offsets = [0, 0], sizes = [128, 128], strides = [1, 1]} : vector<128x256xf32> to vector<128x128xf32>
    %dot_general3A = arith.constant dense<0.000000e+00> : vector<1024x128xf32>
    %dot_general3A_26 = tpu.matmul %get3A_1, %slice3A, %dot_general3A {dimension_numbers = #tpu.dot_dimension_numbers<[1], [1], [0], [0], [0, 0, 1, 0], [], []>, precision = #tpu.contract_precision<fp32>, transpose_lhs_hint = false} : vector<1024x128xf32>, vector<128x128xf32>, vector<1024x128xf32> -> vector<1024x128xf32>
    %slice3A_27 = vector.extract_strided_slice %get3A_25 {offsets = [0, 128], sizes = [128, 128], strides = [1, 1]} : vector<128x256xf32> to vector<128x128xf32>
    %dot_general3A_28 = arith.constant dense<0.000000e+00> : vector<1024x128xf32>
    %dot_general3A_29 = tpu.matmul %add3A, %slice3A_27, %dot_general3A_28 {dimension_numbers = #tpu.dot_dimension_numbers<[1], [1], [0], [0], [0, 0, 1, 0], [], []>, precision = #tpu.contract_precision<fp32>, transpose_lhs_hint = false} : vector<1024x128xf32>, vector<128x128xf32>, vector<1024x128xf32> -> vector<1024x128xf32>
    %max3A = arith.constant 1.000000e+00 : f32
    %max3A_30 = vector.broadcast %max3A : f32 to vector<1024x1xf32>
    %max3A_31 = arith.maximumf %add3A_22, %max3A_30 : vector<1024x1xf32>
    %div3A = arith.constant 1.000000e+00 : f32
    %div3A_32 = vector.broadcast %div3A : f32 to vector<1024x1xf32>
    %div3A_33 = arith.divf %div3A_32, %max3A_31 : vector<1024x1xf32>
    %gt3A = arith.constant 0.000000e+00 : f32
    %gt3A_34 = vector.broadcast %gt3A : f32 to vector<1024x1xf32>
    %gt3A_35 = arith.cmpf ogt, %add3A_22, %gt3A_34 : vector<1024x1xf32>
    %get3A_36 = arith.constant 0 : index
    %get3A_37 = arith.constant 0 : index
    %get3A_38 = vector.load %arg5[%get3A_36, %get3A_37] : memref<1x128xf32, #tpu.memory_space<vmem>>, vector<1x128xf32>
    %add3A_39 = vector.broadcast %get3A_38 : vector<1x128xf32> to vector<1024x128xf32>
    %add3A_40 = arith.addf %dot_general3A_26, %add3A_39 : vector<1024x128xf32>
    %mul3A = vector.broadcast %div3A_33 : vector<1024x1xf32> to vector<1024x128xf32>
    %mul3A_41 = arith.mulf %dot_general3A_29, %mul3A : vector<1024x128xf32>
    %add3A_42 = arith.addf %add3A_40, %mul3A_41 : vector<1024x128xf32>
    %jit3A = arith.constant 0.000000e+00 : f32
    %broadcast_in_dim3A = vector.shape_cast %gt3A_35 : vector<1024x1xi1> to vector<1024x1xi1>
    %broadcast_in_dim3A_43 = vector.broadcast %broadcast_in_dim3A : vector<1024x1xi1> to vector<1024x128xi1>
    %broadcast_in_dim3A_44 = vector.broadcast %jit3A : f32 to vector<1024x128xf32>
    %select_n3A = arith.select %broadcast_in_dim3A_43, %add3A_42, %broadcast_in_dim3A_44 : vector<1024x128xi1>, vector<1024x128xf32>
    %swap3A = arith.constant 0 : index
    %swap3A_45 = arith.constant 0 : index
    %swap3A_46 = vector.load %arg6[%swap3A, %swap3A_45] : memref<1024x128xf32, #tpu.memory_space<vmem>>, vector<1024x128xf32>
    tpu.vector_store %arg6[%swap3A, %swap3A_45], %select_n3A {strides = array<i32>} : memref<1024x128xf32, #tpu.memory_space<vmem>>, vector<1024x128xf32>,
    return
  }
  func.func @transform_0(%arg0: i32) -> (i32, i32) {
    %c0_i32 = arith.constant 0 : i32
    %c0_i32_0 = arith.constant 0 : i32
    return %arg0, %c0_i32 : i32, i32
  }
  func.func @transform_1(%arg0: i32) -> (i32, i32, i32) {
    %c0_i32 = arith.constant 0 : i32
    %c0_i32_0 = arith.constant 0 : i32
    %c0_i32_1 = arith.constant 0 : i32
    return %c0_i32, %arg0, %c0_i32_0 : i32, i32, i32
  }
  func.func @transform_2(%arg0: i32) -> (i32, i32, i32) {
    %c0_i32 = arith.constant 0 : i32
    %c0_i32_0 = arith.constant 0 : i32
    %c0_i32_1 = arith.constant 0 : i32
    return %c0_i32, %arg0, %c0_i32_0 : i32, i32, i32
  }
  func.func @transform_3(%arg0: i32) -> (i32, i32) {
    %c0_i32 = arith.constant 0 : i32
    %c0_i32_0 = arith.constant 0 : i32
    %c0_i32_1 = arith.constant 0 : i32
    return %c0_i32, %c0_i32_0 : i32, i32
  }
  func.func @transform_4(%arg0: i32) -> (i32, i32) {
    %c0_i32 = arith.constant 0 : i32
    %c0_i32_0 = arith.constant 0 : i32
    %c0_i32_1 = arith.constant 0 : i32
    return %c0_i32, %c0_i32_0 : i32, i32
  }
  func.func @transform_5(%arg0: i32) -> (i32, i32) {
    %c0_i32 = arith.constant 0 : i32
    %c0_i32_0 = arith.constant 0 : i32
    return %arg0, %c0_i32 : i32, i32
  }
}

</mosaic_0001>

<sc_bundles>
// kernel: kernel.4.cloned.1.call-start
scs
__scs_entry_jumppad:
0x0: {  	(pc) =	sbr.rel $0x88, $3  }
0x1: {  	(tag) =	ssettag $0x0;
	lr =	simm.s32 $0x1  }
0x2: {  	[smem:$0x3F9D] =	sst lr;
	_ =	strace $0xD0000000  }
0x3: {  	_ = 	snop  }
0x4: {  	_ = 	snop  }
0x5: {  	_ = 	snop  }
0x6: {  	_ = 	snop  }
0x7: {  	_ = 	snop  }
__scs_overlays_trampoline_lowered:
0x8: {  	[smem:$0x3FAC] =	sst s0  }
0x9: {  	[smem:$0x3FAD] =	sst s1  }
0xa: {  	[smem:$0x3FAE] =	sst s2  }
0xb: {  	[smem:$0x3FAF] =	sst s3  }
0xc: {  	[smem:$0x3FB0] =	sst s4  }
0xd: {  	[smem:$0x3FB1] =	sst s5  }
0xe: {  	[smem:$0x3FB2] =	sst s6  }
0xf: {  	[smem:$0x3FB3] =	sst s7  }
0x10: {  	[smem:$0x3FB4] =	sst s8  }
0x11: {  	[smem:$0x3FB5] =	sst s9;
	s0 =	simm.s32 @!p0 $0x0  }
0x12: {  	s1 =	sld [smem:$0x3F9B];
	s0 =	simm.s32 @p0 $0x1  }
0x13: {  	[smem:$0x3FB6] =	sst s0;
	s0 =	simm.s32 @!p1 $0x0  }
0x14: {  	s2 =	sld [smem:$0x3F9A];
	s0 =	simm.s32 @p1 $0x1  }
0x15: {  	[smem:$0x3FB7] =	sst s0;
	s0 =	simm.s32 @!p2 $0x0  }
0x16: {  	s3 =	sld [smem:$0x3FDB];
	s0 =	simm.s32 @p2 $0x1  }
0x17: {  	s4 =	simm.s32 $0x1BF5;
	[smem:$0x3FB9] =	sst s0  }
0x18: {  	s0 =	sld [smem:$0x3F9C];
	_ =	swait.ge [sflag:s4], $0x0  }
0x19: {  	s7 =	sld [smem:$0x3F9D]  }
0x1a: {  	s8 =	sadd.s32 $0xFFFFE003, lr  }
0x1b: {  	s9 =	sadd.s32 $0xFFFFFEF7, lr;
	s5 =	simm.s32 $0xFFFFFFFF;
	p2 =	slt.u32 s8, $0xFFFFF086  }
0x1c: {  	p1 =	slt.u32 s9, $0xF7A;
	s5 =	simm.s32 @!p2 $0x0  }
0x1d: {  	s5 =	simm.s32 @p1 $0x1;
	p0 =	seq.s32 s7, s2  }
0x1e: {  	s7 =	smul.u32 @!p0 $0xF7A, s2;
	p2 =	seq.s32 @!p0 s5, $0x0  }
0x1f: {  	s9 =	smul.u32 $0xF7A, s1;
	s8 =	simm.s32 @!p0 $0x1BF5;
	p2 =	por !p2, p0  }
0x20: {  	[sflag:s8] =	ssyncset.s32 @!p0 $0xFFFFF086;
	s6 =	sadd.s32 @!p0 s3, s7;
	s7 =	simm.s32 @!p0 $0x108  }
0x21: {  	s3 =	sadd.s32 s3, s9;
	s6 =	sadd.s32 @!p0 $0x88, s6;
	s7 =	simm.s32 @p2 $0x1082  }
0x22: {  	[simem:s7], [sflag:s8] =	dma.local @!p0 [hbm:s6], $0xF7A  }
0x23: {  	s9 =	sor.u32 $0xD0000000, s2;
	s6 =	simm.s32 $0x108;
	_ =	swait.ge @!p0 [sflag:s8], $0x0  }
0x24: {  	s3 =	sadd.s32 $0x88, s3;
	s6 =	simm.s32 @!p1 $0x1082;
	[sflag:s4] =	ssyncset.s32 $0xFFFFF086  }
0x25: {  	[simem:s6], [sflag:s4] =	dma.local [hbm:s3], $0xF7A  }
0x26: {  	[smem:$0x3F9D] =	sst s1;
	(tag) =	ssettag s2;
	_ =	strace s9  }
0x27: {  	s1 =	sld [smem:$0x3FAD]  }
0x28: {  	s2 =	sld [smem:$0x3FAE]  }
0x29: {  	s4 =	sld [smem:$0x3FB0]  }
0x2a: {  	p0 =	seq.s32 s5, $0x0;
	s5 =	sld [smem:$0x3FB1]  }
0x2b: {  	s6 =	sld [smem:$0x3FB2]  }
0x2c: {  	s7 =	sld [smem:$0x3FB3]  }
0x2d: {  	s3 =	simm.s32 $0x108;
	s8 =	sld [smem:$0x3FB4]  }
0x2e: {  	s3 =	simm.s32 @!p0 $0x1082;
	s9 =	sld [smem:$0x3FB5]  }
0x2f: {  	lr =	sadd.s32 s0, s3;
	s0 =	sld [smem:$0x3FAC]  }
0x30: {  	s3 =	sld [smem:$0x3FAF]  }
0x31: {  	[smem:$0x3FB8] =	sst s10  }
0x32: {  	s10 =	sld [smem:$0x3FB6];
	_ =	sdelay $0x3  }
0x33: {  	p0 =	seq.s32 s10, $0x1;
	s10 =	sld [smem:$0x3FB8];
	_ =	sdelay $0x3  }
0x34: {  	[smem:$0x3FB8] =	sst s10  }
0x35: {  	s10 =	sld [smem:$0x3FB7];
	_ =	sdelay $0x3  }
0x36: {  	p1 =	seq.s32 s10, $0x1;
	s10 =	sld [smem:$0x3FB8];
	_ =	sdelay $0x3  }
0x37: {  	[smem:$0x3FB8] =	sst s10  }
0x38: {  	s10 =	sld [smem:$0x3FB9]  }
0x39: {  	_ = 	snop;
	(pc) =	sbr.ind lr, $3  }
0x3a: {  	_ = 	snop  }
0x3b: {  	_ = 	snop  }
0x3c: {  	p2 =	seq.s32 s10, $0x1;
	s10 =	sld [smem:$0x3FB8]  }
0x3d: {  	_ =	shalt  }
0x3e: {  	_ =	shalt  }
0x3f: {  	_ =	shalt  }
0x40: {  	_ =	shalt  }
0x41: {  	_ =	shalt  }
0x42: {  	_ =	shalt  }
0x43: {  	_ =	shalt  }
0x44: {  	_ =	shalt  }
0x45: {  	_ =	shalt  }
0x46: {  	_ =	shalt  }
0x47: {  	_ =	shalt  }
0x48: {  	_ =	shalt  }
0x49: {  	_ =	shalt  }
0x4a: {  	_ =	shalt  }
0x4b: {  	_ =	shalt  }
0x4c: {  	_ =	shalt  }
0x4d: {  	_ =	shalt  }
0x4e: {  	_ =	shalt  }
0x4f: {  	_ =	shalt  }
0x50: {  	_ =	shalt  }
0x51: {  	_ =	shalt  }
0x52: {  	_ =	shalt  }
0x53: {  	_ =	shalt  }
0x54: {  	_ =	shalt  }
0x55: {  	_ =	shalt  }
0x56: {  	_ =	shalt  }
0x57: {  	_ =	shalt  }
0x58: {  	_ =	shalt  }
0x59: {  	_ =	shalt  }
0x5a: {  	_ =	shalt  }
0x5b: {  	_ =	shalt  }
0x5c: {  	_ =	shalt  }
0x5d: {  	_ =	shalt  }
0x5e: {  	_ =	shalt  }
0x5f: {  	_ =	shalt  }
0x60: {  	_ =	shalt  }
0x61: {  	_ =	shalt  }
0x62: {  	_ =	shalt  }
0x63: {  	_ =	shalt  }
0x64: {  	_ =	shalt  }
0x65: {  	_ =	shalt  }
0x66: {  	_ =	shalt  }
0x67: {  	_ =	shalt  }
0x68: {  	_ =	shalt  }
0x69: {  	_ =	shalt  }
0x6a: {  	_ =	shalt  }
0x6b: {  	_ =	shalt  }
0x6c: {  	_ =	shalt  }
0x6d: {  	_ =	shalt  }
0x6e: {  	_ =	shalt  }
0x6f: {  	_ =	shalt  }
0x70: {  	_ =	shalt  }
0x71: {  	_ =	shalt  }
0x72: {  	_ =	shalt  }
0x73: {  	_ =	shalt  }
0x74: {  	_ =	shalt  }
0x75: {  	_ =	shalt  }
0x76: {  	_ =	shalt  }
0x77: {  	_ =	shalt  }
0x78: {  	_ =	shalt  }
0x79: {  	_ =	shalt  }
0x7a: {  	_ =	shalt  }
0x7b: {  	_ =	shalt  }
0x7c: {  	_ =	shalt  }
0x7d: {  	_ =	shalt  }
0x7e: {  	_ =	shalt  }
0x7f: {  	_ =	shalt  }
0x80: {  	_ =	shalt  }
0x81: {  	_ =	shalt  }
0x82: {  	_ =	shalt  }
0x83: {  	_ =	shalt  }
0x84: {  	_ =	shalt  }
0x85: {  	_ =	shalt  }
0x86: {  	_ =	shalt  }
0x87: {  	_ =	shalt  }
.Lfunc_end0:
.L_simem_size_0:
called_computation_lowered:
.L_overlay_start_0:
0x88: {  	s2 =	sld [smem:$0x3FD9]  }
0x89: {  	s3 =	sld [smem:$0x3FFE];
	_ =	sdelay $0x1  }
0x8a: {  	s1 =	srdreg.scid  }
0x8b: {  	s0 =	sand.u32 $0x1, s1  }
0x8c: {  	s17 =	sshll.u32 s0, $0xA;
	s2 =	sadd.s32 s3, s2  }
0x8d: {  	s2 =	sadd.s32 s2, s17  }
0x8e: {  	[smem:$0x3FC4] =	sst s2  }
0x8f: {  	_ = 	snop  }
0x90: {  	s2 =	sld [smem:$0x3FC9]  }
0x91: {  	s18 =	sld [smem:$0x3FD0];
	(tm) =	ssettm $0x1  }
0x92: {  	s4 =	sld [smem:$0x3FFB];
	_ =	sdelay $0x3  }
0x93: {  	_ =	strace s4  }
0x94: {  	s4 =	sld [smem:$0x3FFC];
	_ =	sdelay $0x3  }
0x95: {  	_ =	strace s4  }
0x96: {  	s4 =	sld [smem:$0x3FFD];
	_ =	sdelay $0x3  }
0x97: {  	_ =	strace s4  }
0x98: {  	_ =	strace $0x8FFFFFFF  }
0x99: {  	s19 =	sld [smem:$0x3FDB];
	_ =	sdelay $0x1  }
0x9a: {  	s5 =	simm.s32 $_scs_section_size  }
0x9b: {  	s6 =	simm.s32 $_size__tile_overlayer_lowered;
	s7 =	simm.s32 $_tile_overlayer_lowered  }
0x9c: {  	s22 =	simm.s32 $0x1BFF;
	s21 =	sshll.u32 s7, $0x1;
	s4 =	sadd.s32 s5, s19  }
0x9d: {  	s8 =	simm.s32 $0x0;
	s20 =	sshll.u32 s6, $0x1;
	s6 =	sadd.s32 s21, s4  }
0x9e: {  	[timem:s8], [sflag:s22] =	dma.local [hbm:s6], s20  }
0x9f: {  	_ =	swait.ge [sflag:s22], s20  }
0xa0: {  	s5 =	ssub.s32 $0x0, s20;
	[sflag:s22] =	ssyncset.done $0x0  }
0xa1: {  	[sflag:s22] =	ssyncadd.s32 s5;
	_ =	sdelay $0x1  }
0xa2: {  	s23 =	simm.s32 $0x1B8B  }
0xa3: {  	_ =	swait.ge [sflag:s23], $0x1  }
0xa4: {  	[sflag:s23] =	ssyncset.done $0x0  }
0xa5: {  	s25 =	simm.s32 $0x1B8E;
	s24 =	sld [smem:$0x3FFE];
	[sflag:s23] =	ssyncadd.s32 $0xFFFFFFFF  }
0xa6: {  	s26 =	simm.s32 $execute0_lowered;
	[smem:$0x3FD2] =	sst s25  }
0xa7: {  	s6 =	sshll.u32 s26, $0x1;
	_ =	strace $0x80000046;
	[dreg:$0x1] =	wrdreg $0xFFFFFFFF  }
0xa8: {  	s28 =	simm.s32 $_size_execute0_lowered;
	s4 =	sadd.s32 s4, s6;
	[dreg:$0x0] =	wrdreg $0x0  }
0xa9: {  	s6 =	sshll.u32 s28, $0x1;
	[dreg:$0x2] =	wrdreg s4  }
0xaa: {  	[dreg:$0x3] =	wrdreg s6  }
0xab: {  	[dreg:$0x4] =	wrdreg $0xC0  }
0xac: {  	_ =	task [dreg:s8], $0x5FFFF  }
0xad: {  	[dreg:$0x1] =	wrdreg $0xFFFFFFFF  }
0xae: {  	[dreg:$0x0] =	wrdreg $0x60  }
0xaf: {  	[dreg:$0x2] =	wrdreg s2  }
0xb0: {  	[dreg:$0x3] =	wrdreg s24  }
0xb1: {  	[dreg:$0x4] =	wrdreg s18  }
0xb2: {  	[dreg:$0x5] =	wrdreg $0x44000  }
0xb3: {  	[dreg:$0x6] =	wrdreg $0x180000  }
0xb4: {  	[dreg:$0x7] =	wrdreg $0x9  }
0xb5: {  	_ =	task.clear_ibuf [dreg:s8], $0x8FFFF;
	_ =	strace $0x90000046  }
0xb6: {  	s29 =	simm.s32 $0x9;
	_ =	strace $0x80000048  }
0xb7: {  	_ =	swait.ge [sflag:s29], $0x1  }
0xb8: {  	[sflag:s29] =	ssyncadd.s32 $0xFFFFFFFF  }
0xb9: {  	_ =	strace $0x90000048  }
0xba: {  	_ =	sfence  }
0xbb: {  	s30 =	sld [smem:$0x0];
	_ =	sdelay $0x2  }
0xbc: {  	s31 =	sshll.u32 s1, $0xD;
	s1 =	sshrl.u32 s1, $0x2  }
0xbd: {  	s3 =	sand.u32 $0x4000, s31;
	s1 =	sadd.s32 s1, s30  }
0xbe: {  	s0 =	sor.u32 s3, s0;
	s1 =	sshll.u32 s1, $0x11  }
0xbf: {  	s0 =	sor.u32 s1, s0  }
0xc0: {  	s0 =	sadd.s32 $0x8F2B, s0  }
0xc1: {  	[sflag:s0] =	ssyncadd.remote.s32 $0x1  }
0xc2: {  	_ =	sfence.sel $0xFFFF  }
0xc3: {  	[dreg:$0x0] =	wrdreg $0xFFFFFFFF;
	(pc) =	sbr.abs _section_cstart, $3  }
0xc4: {  	[dreg:$0x1] =	wrdreg $0xFFFFFFFF  }
0xc5: {  	_ =	task.clear_ibuf [dreg:s8], $0x2FFFF;
	_ =	strace $0x9FFFFFFF  }
0xc6: {  	(tm) =	ssettm $0x7FFFFFFF  }
0xc7: {  	_ =	shalt  }
tec
execute0_lowered:
.L_overlay_start_1:
0x0: {  	(tag) =	ssettag $0x1  }
0x1: {  	s1 =	rddreg [dreg:$0x0]  }
0x2: {  	s0 =	rddreg [dreg:$0x1]  }
0x3: {  	s2 =	rddreg [dreg:$0x2]  }
0x4: {  	s4 =	rddreg [dreg:$0x3]  }
0x5: {  	s5 =	rddreg [dreg:$0x4]  }
0x6: {  	s3 =	srdreg.scid;
	s24 =	stileid.u32;
	s6 =	simm.s32 $0x0  }
0x7: {  	s28 =	simm.s32 $0x1;
	s29 =	simm.s32 $0x4100;
	s30 =	simm.s32 $0x0  }
0x8: {  	s3 =	sand.u32 $0x1, s3;
	s13 =	smul.u32 $0x278, s24;
	[smem:$0x7FF] =	sst s6  }
0x9: {  	s7 =	sadd.s32 $0xE00, s0;
	s11 =	smul.u32 $0x4F000, s24;
	s18 =	sadd.s32 $0xB600, s0  }
0xa: {  	s21 =	sshll.u32 s24, $0x1;
	s15 =	smul.u32 $0x13C00, s24;
	s24 =	sshll.u32 s24, $0x8  }
0xb: {  	s8 =	smul.u32 $0x2780, s3;
	_ =	strace $0x80000047;
	s9 =	ssub.s32 $0x2, s3  }
0xc: {  	s16 =	smul.u32 $0x13C000, s3;
	s31 =	sor.u32 s21, s3;
	s3 =	sshll.u32 s3, $0x7  }
0xd: {  	s10 =	sshrl.u32 s9, $0x1;
	s11 =	sshrl.u32 s11, $0x2;
	s12 =	sshll.u32 s13, $0x7  }
0xe: {  	s8 =	sadd.s32 s13, s8;
	s20 =	ssub.s32 s9, s10;
	s14 =	sadd.s32 $0x4000, s12  }
0xf: {  	s17 =	sadd.s32 $0x8000, s12;
	s19 =	sadd.s32 $0xC000, s12;
	s22 =	sadd.s32 $0x10000, s12  }
0x10: {  	s15 =	sadd.s32 s15, s16;
	s13 =	sadd.s32 s13, s5;
	s8 =	sshrl.u32 s8, $0x3  }
0x11: {  	s9 =	sadd.s32 s14, s4;
	s10 =	sadd.s32 s17, s4;
	s12 =	sadd.s32 s22, s4  }
0x12: {  	s15 =	sshrl.u32 s15, $0x3;
	s23 =	sadd.s32 s16, s14;
	s17 =	sadd.s32 s16, s17  }
0x13: {  	s22 =	sadd.s32 s16, s22;
	s20 =	smax.u32 s20, $0x1;
	s0 =	sadd.s32 s8, s0  }
0x14: {  	s8 =	sadd.s32 s11, s4;
	s11 =	sadd.s32 s19, s4;
	s15 =	sadd.s32 s18, s15  }
0x15: {  	s25 =	sshrl.u32 s23, $0x3;
	s19 =	sadd.s32 s16, s19;
	s17 =	sshrl.u32 s17, $0x3  }
0x16: {  	s26 =	sshrl.u32 s22, $0x3;
	s22 =	sor.u32 s3, s24;
	s23 =	simm.s32 $0x100  }
0x17: {  	s24 =	simm.s32 $0x2;
	[dreg:$0x6] =	wrdreg s15;
	s15 =	sadd.s32 s18, s25  }
0x18: {  	s19 =	sshrl.u32 s19, $0x3;
	s16 =	sadd.s32 s18, s17;
	s25 =	simm.s32 $0x4180  }
0x19: {  	s17 =	sadd.s32 s18, s19;
	s19 =	sadd.s32 $0xAC00, s0;
	s0 =	ssub.s32 $0x9E3, s31  }
0x1a: {  	v0 =	vimm.f32 $0.0e+00;
	v1 =	vimm.f32 $1.000000000e+00;
	s18 =	sadd.s32 s18, s26;
	s26 =	simm.s32 $0x80;
	s21 =	sshrl.u32 s0, $0x5  }
.LBB2_1:
0x1b: {  	s0 =	simm.s32 $0x0;
	s3 =	simm.s32 $0x200  }
.LBB2_2:
0x1c: {  	p0 =	sne.s32 s3, $0xFE00;
	[tilespmem:s0+$0x170] =	vst v0  }
0x1d: {  	[tilespmem:s0+$0x100] =	vst v0  }
0x1e: {  	[tilespmem:s0+$0x110] =	vst v0  }
.Ltmp0:
0x1f: {  	[tilespmem:s0+$0x120] =	vst v0;
	(pc) =	sbr.rel @p0 .LBB2_2-.Ltmp0, $4  }
0x20: {  	[tilespmem:s0+$0x130] =	vst v0  }
0x21: {  	[tilespmem:s0+$0x140] =	vst v0  }
0x22: {  	[tilespmem:s0+$0x150] =	vst v0  }
0x23: {  	[tilespmem:s0+$0x160] =	vst v0;
	s0 =	sshra.s32 s3, $0x2;
	s3 =	sadd.s32 $0x200, s3  }
0x24: {  	[tilespmem:s0+$0x170] =	vst v0  }
0x25: {  	[tilespmem:s0+$0x100] =	vst v0  }
0x26: {  	[tilespmem:s0+$0x110] =	vst v0  }
0x27: {  	[tilespmem:s0+$0x120] =	vst v0  }
0x28: {  	[tilespmem:s0+$0x130] =	vst v0  }
0x29: {  	[tilespmem:s0+$0x140] =	vst v0  }
0x2a: {  	[tilespmem:s0+$0x150] =	vst v0  }
0x2b: {  	[tilespmem:s0+$0x160] =	vst v0  }
0x2c: {  	[tilespmem:$0x4100] =	vst v1  }
0x2d: {  	[tilespmem:$0x4110] =	vst v1  }
0x2e: {  	[tilespmem:$0x4120] =	vst v1  }
0x2f: {  	[tilespmem:$0x4130] =	vst v1  }
0x30: {  	[tilespmem:$0x4140] =	vst v1  }
0x31: {  	[tilespmem:$0x4150] =	vst v1  }
0x32: {  	[tilespmem:$0x4160] =	vst v1  }
0x33: {  	[tilespmem:$0x4170] =	vst v1  }
0x34: {  	[tilespmem:$0x4180] =	vst v0  }
0x35: {  	[tilespmem:$0x4190] =	vst v0  }
0x36: {  	[tilespmem:$0x41A0] =	vst v0  }
0x37: {  	[tilespmem:$0x41B0] =	vst v0  }
0x38: {  	[tilespmem:$0x41C0] =	vst v0  }
0x39: {  	[tilespmem:$0x41D0] =	vst v0  }
0x3a: {  	[tilespmem:$0x41E0] =	vst v0  }
0x3b: {  	[tilespmem:$0x41F0] =	vst v0  }
0x3c: {  	[tilespmem:$0x4200] =	vst v0  }
0x3d: {  	[tilespmem:$0x4210] =	vst v0  }
0x3e: {  	[tilespmem:$0x4220] =	vst v0  }
0x3f: {  	[tilespmem:$0x4230] =	vst v0  }
0x40: {  	[tilespmem:$0x4240] =	vst v0  }
0x41: {  	[tilespmem:$0x4250] =	vst v0  }
0x42: {  	[tilespmem:$0x4260] =	vst v0  }
0x43: {  	[tilespmem:$0x4270] =	vst v0  }
0x44: {  	[tilespmem:$0x4280] =	vst v0  }
0x45: {  	[tilespmem:$0x4290] =	vst v0  }
0x46: {  	[tilespmem:$0x42A0] =	vst v0  }
0x47: {  	[tilespmem:$0x42B0] =	vst v0  }
0x48: {  	[tilespmem:$0x42C0] =	vst v0  }
0x49: {  	[tilespmem:$0x42D0] =	vst v0  }
0x4a: {  	[tilespmem:$0x42E0] =	vst v0  }
0x4b: {  	[tilespmem:$0x42F0] =	vst v0  }
0x4c: {  	[tilespmem:$0x4300] =	vst v0  }
0x4d: {  	[tilespmem:$0x4310] =	vst v0  }
0x4e: {  	[tilespmem:$0x4320] =	vst v0  }
0x4f: {  	[tilespmem:$0x4330] =	vst v0  }
0x50: {  	[tilespmem:$0x4340] =	vst v0  }
0x51: {  	[tilespmem:$0x4350] =	vst v0  }
0x52: {  	[tilespmem:$0x4360] =	vst v0  }
0x53: {  	[tilespmem:$0x4370] =	vst v0  }
0x54: {  	[tilespmem:$0x4380] =	vst v0  }
0x55: {  	[tilespmem:$0x4390] =	vst v0  }
0x56: {  	[tilespmem:$0x43A0] =	vst v0  }
0x57: {  	[tilespmem:$0x43B0] =	vst v0  }
0x58: {  	[tilespmem:$0x43C0] =	vst v0  }
0x59: {  	[tilespmem:$0x43D0] =	vst v0  }
0x5a: {  	[tilespmem:$0x43E0] =	vst v0  }
0x5b: {  	[tilespmem:$0x43F0] =	vst v0  }
0x5c: {  	[spmem:s8] =	stream.linear.scatter [tilespmem:s23], [sflag:$0x2], $0x4000, $0x38;
	[tilespmem:$0x18278] =	vst v63  }
0x5d: {  	_ =	swait.ge [sflag:s24], $0x4000  }
0x5e: {  	[sflag:s24] =	ssyncset.done $0x0  }
0x5f: {  	[sflag:s24] =	ssyncadd.s32 $0xFFFFC000  }
0x60: {  	[spmem:s9] =	stream.linear.scatter [tilespmem:s23], [sflag:$0x2], $0x4000, $0x38;
	[tilespmem:$0x18278] =	vst v63  }
0x61: {  	_ =	swait.ge [sflag:s24], $0x4000  }
0x62: {  	[sflag:s24] =	ssyncset.done $0x0  }
0x63: {  	[sflag:s24] =	ssyncadd.s32 $0xFFFFC000  }
0x64: {  	[spmem:s10] =	stream.linear.scatter [tilespmem:s23], [sflag:$0x2], $0x4000, $0x38;
	[tilespmem:$0x18278] =	vst v63  }
0x65: {  	_ =	swait.ge [sflag:s24], $0x4000  }
0x66: {  	[sflag:s24] =	ssyncset.done $0x0  }
0x67: {  	[sflag:s24] =	ssyncadd.s32 $0xFFFFC000  }
0x68: {  	[spmem:s11] =	stream.linear.scatter [tilespmem:s23], [sflag:$0x2], $0x4000, $0x38;
	[tilespmem:$0x18278] =	vst v63  }
0x69: {  	_ =	swait.ge [sflag:s24], $0x4000  }
0x6a: {  	[sflag:s24] =	ssyncset.done $0x0  }
0x6b: {  	[sflag:s24] =	ssyncadd.s32 $0xFFFFC000  }
0x6c: {  	[spmem:s12] =	stream.linear.scatter [tilespmem:s23], [sflag:$0x2], $0x3C00, $0x38;
	[tilespmem:$0x18278] =	vst v63  }
0x6d: {  	_ =	swait.ge [sflag:s24], $0x3C00  }
0x6e: {  	[sflag:s24] =	ssyncset.done $0x0  }
0x6f: {  	p1 =	sne.s32 s21, $0x1;
	[sflag:s24] =	ssyncadd.s32 $0xFFFFC400  }
0x70: {  	[spmem:s13] =	stream.linear.scatter [tilespmem:s25], [sflag:$0x2], $0x278, $0x38;
	[tilespmem:$0x18278] =	vst v63  }
.Ltmp1:
0x71: {  	_ =	swait.ge [sflag:s24], $0x278;
	(pc) =	sbr.rel @!p1 .LBB2_6-.Ltmp1, $4  }
0x72: {  	[sflag:s24] =	ssyncset.done $0x0  }
0x73: {  	[sflag:s24] =	ssyncadd.s32 $0xFFFFFD88  }
0x74: {  	[bflag:$0x0] =	sbarrier.arrive $0xFFFF  }
0x75: {  	s0 =	sadd.s32 $0xFFFFFFFF, s21;
	s3 =	sshrl.u32 s22, $0x3;
	p0 =	por $0x0, $0x0  }
0x76: {  	s31 =	sadd.s32 s7, s3  }
0x77: {  	[tilespmem:s6], [sflag:$0x2] =	stream.linear.gather [hbm4b:s31+s6], $0x80, $0x38;
	[tilespmem:$0x18278] =	vst v63  }
0x78: {  	_ =	swait.ge [sflag:s24], $0x80  }
0x79: {  	[sflag:s24] =	ssyncset.done $0x0  }
0x7a: {  	s14 =	sadd.s32 s2, s3;
	[sflag:s24] =	ssyncadd.s32 $0xFFFFFF80  }
0x7b: {  	[tilespmem:s26], [sflag:$0x2] =	stream.linear.gather [hbm4b:s14+s6], $0x80, $0x38;
	[tilespmem:$0x18278] =	vst v63  }
0x7c: {  	_ =	swait.ge [sflag:s24], $0x80  }
0x7d: {  	[sflag:s24] =	ssyncset.done $0x0  }
0x7e: {  	[sflag:s24] =	ssyncadd.s32 $0xFFFFFF80  }
0x7f: {  	[tilespmem:s23], [sflag:$0x1] =	stream.indirect.gather [hbm4b:s1+s26], $0x80, s6, s26, $0xb8;
	[tilespmem:$0x18278] =	vst v63  }
0x80: {  	_ =	swait.ge [sflag:s28], $0x4000  }
0x81: {  	[sflag:s28] =	ssyncset.done $0x0  }
0x82: {  	[sflag:s28] =	ssyncadd.s32 $0xFFFFC000  }
0x83: {  	[spmem:s4] =	stream.indirect.scatter.add.f32 [tilespmem:s23], [sflag:$0x2], $0x80, s26, s26, $0xb8;
	[tilespmem:$0x18278] =	vst v63  }
0x84: {  	p1 =	sne.s32 s0, $0x1;
	_ =	swait.ge [sflag:s24], $0x4000  }
.Ltmp2:
0x85: {  	[sflag:s24] =	ssyncset.done $0x0;
	(pc) =	sbr.rel @!p1 .LBB2_6-.Ltmp2, $4  }
0x86: {  	[sflag:s24] =	ssyncadd.s32 $0xFFFFC000  }
0x87: {  	[spmem:s5] =	stream.indirect.scatter.add.f32 [tilespmem:s29], [sflag:$0x2], $0x1, s26, s26, $0xb8;
	[tilespmem:$0x18278] =	vst v63  }
0x88: {  	s31 =	sadd.s32 $0xFFFFFFFF, s0;
	s0 =	sadd.s32 $0x1000, s22;
	_ =	swait.ge [sflag:s24], $0x80  }
0x89: {  	p0 =	por $0x1, $0x1;
	s3 =	sshrl.u32 s0, $0x3;
	[sflag:s24] =	ssyncset.done $0x0  }
.LBB2_5:
0x8a: {  	p1 =	sne.s32 s31, $0x1;
	s14 =	sadd.s32 s7, s3;
	[sflag:s24] =	ssyncadd.s32 $0xFFFFFF80  }
0x8b: {  	[tilespmem:s6], [sflag:$0x2] =	stream.linear.gather [hbm4b:s14+s6], $0x80, $0x38;
	[tilespmem:$0x18278] =	vst v63  }
0x8c: {  	s31 =	sadd.s32 $0xFFFFFFFF, s31;
	_ =	swait.ge [sflag:s24], $0x80  }
0x8d: {  	[sflag:s24] =	ssyncset.done $0x0  }
0x8e: {  	s3 =	sadd.s32 s2, s3;
	[sflag:s24] =	ssyncadd.s32 $0xFFFFFF80  }
0x8f: {  	[tilespmem:s26], [sflag:$0x2] =	stream.linear.gather [hbm4b:s3+s6], $0x80, $0x38;
	[tilespmem:$0x18278] =	vst v63  }
0x90: {  	_ =	swait.ge [sflag:s24], $0x80  }
0x91: {  	[sflag:s24] =	ssyncset.done $0x0  }
0x92: {  	[sflag:s24] =	ssyncadd.s32 $0xFFFFFF80  }
0x93: {  	[tilespmem:s23], [sflag:$0x1] =	stream.indirect.gather [hbm4b:s1+s26], $0x80, s6, s26, $0xb8;
	[tilespmem:$0x18278] =	vst v63  }
0x94: {  	_ =	swait.ge [sflag:s28], $0x4000  }
0x95: {  	[sflag:s28] =	ssyncset.done $0x0  }
0x96: {  	[sflag:s28] =	ssyncadd.s32 $0xFFFFC000  }
0x97: {  	[spmem:s4] =	stream.indirect.scatter.add.f32 [tilespmem:s23], [sflag:$0x2], $0x80, s26, s26, $0xb8;
	[tilespmem:$0x18278] =	vst v63  }
0x98: {  	_ =	swait.ge [sflag:s24], $0x4000  }
.Ltmp3:
0x99: {  	[sflag:s24] =	ssyncset.done $0x0;
	(pc) =	sbr.rel @p1 .LBB2_5-.Ltmp3, $4  }
0x9a: {  	[sflag:s24] =	ssyncadd.s32 $0xFFFFC000  }
0x9b: {  	[spmem:s5] =	stream.indirect.scatter.add.f32 [tilespmem:s29], [sflag:$0x2], $0x1, s26, s26, $0xb8;
	[tilespmem:$0x18278] =	vst v63  }
0x9c: {  	s0 =	sadd.s32 $0x1000, s0;
	_ =	swait.ge [sflag:s24], $0x80  }
0x9d: {  	s3 =	sshrl.u32 s0, $0x3;
	[sflag:s24] =	ssyncset.done $0x0  }
.LBB2_6:
0x9e: {  	s0 =	sadd.s32 s7, s3;
	[sflag:s24] =	ssyncadd.s32 @p0 $0xFFFFFF80  }
0x9f: {  	[tilespmem:s6], [sflag:$0x2] =	stream.linear.gather [hbm4b:s0+s6], $0x80, $0x38;
	[tilespmem:$0x18278] =	vst v63  }
0xa0: {  	_ =	swait.ge [sflag:s24], $0x80  }
0xa1: {  	[sflag:s24] =	ssyncset.done $0x0  }
0xa2: {  	s14 =	sadd.s32 s2, s3;
	[sflag:s24] =	ssyncadd.s32 $0xFFFFFF80  }
0xa3: {  	[tilespmem:s26], [sflag:$0x2] =	stream.linear.gather [hbm4b:s14+s6], $0x80, $0x38;
	[tilespmem:$0x18278] =	vst v63  }
0xa4: {  	_ =	swait.ge [sflag:s24], $0x80  }
0xa5: {  	[sflag:s24] =	ssyncset.done $0x0  }
0xa6: {  	[sflag:s24] =	ssyncadd.s32 $0xFFFFFF80  }
0xa7: {  	[tilespmem:s23], [sflag:$0x1] =	stream.indirect.gather [hbm4b:s1+s26], $0x80, s6, s26, $0xb8;
	[tilespmem:$0x18278] =	vst v63  }
0xa8: {  	_ =	swait.ge [sflag:s28], $0x4000  }
0xa9: {  	[sflag:s28] =	ssyncset.done $0x0  }
0xaa: {  	[sflag:s28] =	ssyncadd.s32 $0xFFFFC000  }
0xab: {  	[spmem:s4] =	stream.indirect.scatter.add.f32 [tilespmem:s23], [sflag:$0x2], $0x80, s26, s26, $0xb8;
	[tilespmem:$0x18278] =	vst v63  }
0xac: {  	_ =	swait.ge [sflag:s24], $0x4000  }
0xad: {  	[sflag:s24] =	ssyncset.done $0x0  }
0xae: {  	[sflag:s24] =	ssyncadd.s32 $0xFFFFC000  }
0xaf: {  	[spmem:s5] =	stream.indirect.scatter.add.f32 [tilespmem:s29], [sflag:$0x2], $0x1, s26, s26, $0xb8;
	[tilespmem:$0x18278] =	vst v63  }
0xb0: {  	_ =	swait.ge [sflag:s24], $0x80  }
0xb1: {  	[sflag:s24] =	ssyncset.done $0x0  }
0xb2: {  	[sflag:s24] =	ssyncadd.s32 $0xFFFFFF80  }
0xb3: {  	[bflag:$0x0] =	sbarrier.arrive $0xFFFF  }
0xb4: {  	[tilespmem:s23], [sflag:$0x2] =	stream.linear.gather [spmem:s8], $0x4000, $0x38;
	[tilespmem:$0x18278] =	vst v63  }
0xb5: {  	_ =	swait.ge [sflag:s24], $0x4000  }
0xb6: {  	[sflag:s24] =	ssyncset.done $0x0  }
0xb7: {  	s31 =	rddreg [dreg:$0x6];
	[sflag:s24] =	ssyncadd.s32 $0xFFFFC000  }
0xb8: {  	[hbm4b:s31+s6] =	stream.linear.scatter [tilespmem:s23], [sflag:$0x2], $0x4000, $0x38;
	[tilespmem:$0x18278] =	vst v63  }
0xb9: {  	_ =	swait.ge [sflag:s24], $0x4000  }
0xba: {  	[sflag:s24] =	ssyncset.done $0x0  }
0xbb: {  	[sflag:s24] =	ssyncadd.s32 $0xFFFFC000  }
0xbc: {  	[tilespmem:s23], [sflag:$0x2] =	stream.linear.gather [spmem:s9], $0x4000, $0x38;
	[tilespmem:$0x18278] =	vst v63  }
0xbd: {  	_ =	swait.ge [sflag:s24], $0x4000  }
0xbe: {  	[sflag:s24] =	ssyncset.done $0x0  }
0xbf: {  	[sflag:s24] =	ssyncadd.s32 $0xFFFFC000  }
0xc0: {  	[hbm4b:s15+s6] =	stream.linear.scatter [tilespmem:s23], [sflag:$0x2], $0x4000, $0x38;
	[tilespmem:$0x18278] =	vst v63  }
0xc1: {  	_ =	swait.ge [sflag:s24], $0x4000  }
0xc2: {  	[sflag:s24] =	ssyncset.done $0x0  }
0xc3: {  	[sflag:s24] =	ssyncadd.s32 $0xFFFFC000  }
0xc4: {  	[tilespmem:s23], [sflag:$0x2] =	stream.linear.gather [spmem:s10], $0x4000, $0x38;
	[tilespmem:$0x18278] =	vst v63  }
0xc5: {  	_ =	swait.ge [sflag:s24], $0x4000  }
0xc6: {  	[sflag:s24] =	ssyncset.done $0x0  }
0xc7: {  	[sflag:s24] =	ssyncadd.s32 $0xFFFFC000  }
0xc8: {  	[hbm4b:s16+s6] =	stream.linear.scatter [tilespmem:s23], [sflag:$0x2], $0x4000, $0x38;
	[tilespmem:$0x18278] =	vst v63  }
0xc9: {  	_ =	swait.ge [sflag:s24], $0x4000  }
0xca: {  	[sflag:s24] =	ssyncset.done $0x0  }
0xcb: {  	[sflag:s24] =	ssyncadd.s32 $0xFFFFC000  }
0xcc: {  	[tilespmem:s23], [sflag:$0x2] =	stream.linear.gather [spmem:s11], $0x4000, $0x38;
	[tilespmem:$0x18278] =	vst v63  }
0xcd: {  	_ =	swait.ge [sflag:s24], $0x4000  }
0xce: {  	[sflag:s24] =	ssyncset.done $0x0  }
0xcf: {  	[sflag:s24] =	ssyncadd.s32 $0xFFFFC000  }
0xd0: {  	[hbm4b:s17+s6] =	stream.linear.scatter [tilespmem:s23], [sflag:$0x2], $0x4000, $0x38;
	[tilespmem:$0x18278] =	vst v63  }
0xd1: {  	_ =	swait.ge [sflag:s24], $0x4000  }
0xd2: {  	[sflag:s24] =	ssyncset.done $0x0  }
0xd3: {  	[sflag:s24] =	ssyncadd.s32 $0xFFFFC000  }
0xd4: {  	[tilespmem:s23], [sflag:$0x2] =	stream.linear.gather [spmem:s12], $0x3C00, $0x38;
	[tilespmem:$0x18278] =	vst v63  }
0xd5: {  	_ =	swait.ge [sflag:s24], $0x3C00  }
0xd6: {  	[sflag:s24] =	ssyncset.done $0x0  }
0xd7: {  	[sflag:s24] =	ssyncadd.s32 $0xFFFFC400  }
0xd8: {  	[hbm4b:s18+s6] =	stream.linear.scatter [tilespmem:s23], [sflag:$0x2], $0x3C00, $0x38;
	[tilespmem:$0x18278] =	vst v63  }
0xd9: {  	_ =	swait.ge [sflag:s24], $0x3C00  }
0xda: {  	[sflag:s24] =	ssyncset.done $0x0  }
0xdb: {  	[sflag:s24] =	ssyncadd.s32 $0xFFFFC400  }
0xdc: {  	[tilespmem:s25], [sflag:$0x2] =	stream.linear.gather [spmem:s13], $0x278, $0x38;
	[tilespmem:$0x18278] =	vst v63  }
0xdd: {  	s30 =	sadd.s32 $0x1, s30;
	_ =	swait.ge [sflag:s24], $0x278  }
0xde: {  	p0 =	sne.s32 s30, s20;
	[sflag:s24] =	ssyncset.done $0x0  }
.Ltmp4:
0xdf: {  	[sflag:s24] =	ssyncadd.s32 $0xFFFFFD88;
	(pc) =	sbr.rel @p0 .LBB2_1-.Ltmp4, $4  }
0xe0: {  	[hbm4b:s19+s6] =	stream.linear.scatter [tilespmem:s25], [sflag:$0x2], $0x278, $0x38;
	[tilespmem:$0x18278] =	vst v63  }
0xe1: {  	_ =	swait.ge [sflag:s24], $0x278  }
0xe2: {  	[sflag:s24] =	ssyncset.done $0x0  }
0xe3: {  	[sflag:s24] =	ssyncadd.s32 $0xFFFFFD88  }
0xe4: {  	_ =	sfence.sel $0x180000  }
0xe5: {  	[bflag:$0x0] =	sbarrier.arrive $0xFFFF  }
0xe6: {  	_ =	strace $0x90000047  }
0xe7: {  	s0 =	stileid.u32;
	[bflag:$0x2] =	sbarrier.arrive $0xFFFF  }
0xe8: {  	p0 =	sne.s32 s0, $0x0;
	s0 =	rddreg [dreg:$0x5]  }
0xe9: {  	s0 =	sadd.s32 @!p0 $0x100000, s0  }
0xea: {  	[sflag:s0] =	ssyncadd.tile.s32 @!p0 $0x1;
	_ =	shalt  }
.Lfunc_end2:
_tile_overlayer_lowered:
.L_overlay_start_2:
0xeb: {  	(tag) =	ssettag $0x2  }
0xec: {  	s0 =	rddreg [dreg:$0x0];
	s2 =	stileid.u32  }
0xed: {  	s1 =	rddreg [dreg:$0x1];
	p0 =	sne.s32 s2, $0x0  }
0xee: {  	s3 =	rddreg [dreg:$0x2];
	[bflag:$0x3] =	sbarrier.arrive $0xFFFF;
	s2 =	simm.s32 @!p0 $0x1C02  }
0xef: {  	[timem:s3], [sflag:s2] =	dma.local @!p0 [hbm:s0], s1  }
0xf0: {  	s0 =	simm.s32 @!p0 $0x2  }
0xf1: {  	_ =	swait.ge @!p0 [sflag:s0], s1  }
0xf2: {  	s1 =	ssub.s32 @!p0 $0x0, s1;
	[sflag:s0] =	ssyncset.done @!p0 $0x0  }
0xf3: {  	[sflag:s0] =	ssyncadd.s32 @!p0 s1  }
0xf4: {  	[bflag:$0x3] =	sbarrier.arrive $0xFFFF  }
0xf5: {  	_ =	shalt  }

</sc_bundles>
